<compile_context>
chip_gen: v7x
topology: tpu7x:2x2x1
jax: 0.10.2.dev20260603
libtpu: 0.0.44.dev20260713+nightly
codegen_flags: <defaults>
</compile_context>

<pallas_src>
import functools

import jax
import jax.numpy as jnp
from jax import lax
from jax.experimental import pallas as pl
from jax.experimental.pallas import tpu as pltpu
from jax.experimental.pallas import tpu_sc as plsc

_GAMMA = 0.999
_P = 0.9995
_N = 2 * 4096 * 2048
_RANK = int(_N * _P) - 1
_NEED = _N - _RANK

_L = 16
_NC, _NS = 2, 16
_NW = _NC * _NS
_PER_W = _N // _NW
_CHUNK = 65536
_NCHUNK = _PER_W // _CHUNK

_mesh = plsc.VectorSubcoreMesh(core_axis_name="c", subcore_axis_name="s")


def _wid():
    return lax.axis_index("s") * _NC + lax.axis_index("c")


@functools.partial(
    pl.kernel,
    out_type=(
        jax.ShapeDtypeStruct((_N,), jnp.float32),
        jax.ShapeDtypeStruct((_NW, _L), jnp.int32),
    ),
    mesh=_mesh,
    scratch_types=[
        pltpu.VMEM((_CHUNK,), jnp.float32),
        pltpu.VMEM((_L,), jnp.int32),
    ],
)
def _clamp_count(x_hbm, out_hbm, cnt_hbm, buf, cnt_v):
    base = _wid() * _PER_W
    gamma = jnp.float32(_GAMMA)

    def chunk_body(k, acc):
        off = base + k * _CHUNK
        pltpu.sync_copy(x_hbm.at[pl.ds(off, _CHUNK)], buf)

        def body(i, a):
            v = buf[pl.ds(i * _L, _L)]
            lt = v < gamma
            buf[pl.ds(i * _L, _L)] = jnp.where(lt, v, gamma)
            return a + jnp.where(lt, 0, 1).astype(jnp.int32)

        acc = lax.fori_loop(0, _CHUNK // _L, body, acc)
        pltpu.sync_copy(buf, out_hbm.at[pl.ds(off, _CHUNK)])
        return acc

    acc = lax.fori_loop(0, _NCHUNK, chunk_body, jnp.zeros((_L,), jnp.int32))
    cnt_v[...] = acc
    pltpu.sync_copy(cnt_v, cnt_hbm.at[_wid()])


def _make_hist_kernel(level):
    shift = 8 * level

    @functools.partial(
        pl.kernel,
        out_type=jax.ShapeDtypeStruct((_NW, 256 * _L), jnp.int32),
        mesh=_mesh,
        scratch_types=[
            pltpu.VMEM((_CHUNK,), jnp.float32),
            pltpu.VMEM((256 * _L,), jnp.int32),
            pltpu.VMEM((_L,), jnp.uint32),
        ],
        compiler_params=pltpu.CompilerParams(needs_layout_passes=False),
    )
    def hist_kernel(x_hbm, pref_hbm, hist_hbm, buf, hist_v, pref_v):
        base = _wid() * _PER_W
        gamma = jnp.float32(_GAMMA)
        lanes = jnp.arange(_L, dtype=jnp.int32)
        ones = jnp.ones((_L,), jnp.int32)
        zeros16 = jnp.zeros((_L,), jnp.int32)

        def zero_body(i, _):
            hist_v[pl.ds(i * _L, _L)] = zeros16
            return 0

        lax.fori_loop(0, 256, zero_body, 0)
        pltpu.sync_copy(pref_hbm, pref_v)
        pref = pref_v[...]

        def chunk_body(k, _):
            off = base + k * _CHUNK
            pltpu.sync_copy(x_hbm.at[pl.ds(off, _CHUNK)], buf)

            def body(i, __):
                v = buf[pl.ds(i * _L, _L)]
                u = lax.bitcast_convert_type(v, jnp.uint32)
                xm = jnp.where(
                    u >= jnp.uint32(0x80000000),
                    jnp.uint32(0xFFFFFFFF),
                    jnp.uint32(0x80000000),
                )
                key = u ^ xm
                mask = v < gamma
                if level < 3:
                    mask = mask & ((key >> jnp.uint32(shift + 8)) == pref)
                b = ((key >> jnp.uint32(shift)) & jnp.uint32(0xFF)).astype(jnp.int32)
                idx = b * _L + lanes
                plsc.addupdate_scatter(hist_v, [idx], ones, mask=mask)
                return 0

            lax.fori_loop(0, _CHUNK // _L, body, 0)
            return 0

        lax.fori_loop(0, _NCHUNK, chunk_body, 0)
        pltpu.sync_copy(hist_v, hist_hbm.at[_wid()])

    return hist_kernel


_hist_kernels = {lvl: _make_hist_kernel(lvl) for lvl in (3, 2, 1, 0)}


def kernel(x, scale):
    flat = x.reshape(-1)
    out_flat, cnts = _clamp_count(flat)
    ties = cnts.sum()

    def easy():
        return jnp.float32(_GAMMA)

    def hard():
        r = jnp.int32(_RANK)
        pref = jnp.uint32(0)
        for level in (3, 2, 1, 0):
            h = _hist_kernels[level](flat, jnp.full((_L,), pref, jnp.uint32))
            hh = h.reshape(_NW, 256, _L).sum(axis=(0, 2))
            cum = jnp.cumsum(hh)
            b = jnp.argmax(cum > r).astype(jnp.int32)
            r = r - (cum[b] - hh[b])
            pref = (pref << jnp.uint32(8)) | b.astype(jnp.uint32)
        u = jnp.where(
            pref >= jnp.uint32(0x80000000),
            pref ^ jnp.uint32(0x80000000),
            ~pref,
        )
        return lax.bitcast_convert_type(u, jnp.float32)

    val = lax.cond(ties >= _NEED, easy, hard)
    new_scale = jnp.maximum(val, scale)
    return out_flat.reshape(x.shape), new_scale

# --- scband reference (transcript-rebuilt; emitter-appended) ---
"""Pipeline reference for scband-hook-scale-12111807774797 (READ-ONLY COPY).

The authoritative reference and input builder live on the scoring server;
editing this copy changes nothing except your own understanding.
"""

import jax, jax.numpy as jnp
import numpy as np

P = 0.9995
GAMMA = 0.999

def setup_inputs(seed: int = 0) -> dict:
    key = jax.random.key(seed)
    kx, = jax.random.split(key, 1)
    x = jax.random.normal(kx, (2, 4096, 2048), dtype=jnp.float32)
    scale = jnp.asarray(0.0, dtype=jnp.float32)
    return {"x": x, "scale": scale}

def reference(x, scale):
    # x = torch.where(x.detach() < gamma, x.detach(), gamma)
    xd = jax.lax.stop_gradient(x)
    out = jnp.where(xd < GAMMA, xd, jnp.asarray(GAMMA, dtype=x.dtype))
    # non-channelnorm path: sort flattened, take p-th percentile element
    flat = out.reshape(-1)
    srt = jnp.sort(flat)
    idx = int(flat.shape[0] * P) - 1
    new_scale = jnp.maximum(srt[idx], scale)
    return out, new_scale

if __name__ == "__main__":
    import jax
    _d = setup_inputs()
    print(jax.jit(kernel)(*tuple(_d.values())))

</pallas_src>

<mosaic_0001>
#map = affine_map<(d0, d1) -> (0)>
#map1 = affine_map<(d0, d1) -> (0, 0)>
module attributes {stable_mosaic.version = 14 : i64} {
  func.func @hist_kernel(%arg0: i32, %arg1: i32, %arg2: memref<16777216xf32, #tpu.memory_space<hbm>>, %arg3: memref<16xi32, #tpu.memory_space<hbm>>, %arg4: memref<32x4096xi32, #tpu.memory_space<hbm>>, %arg5: memref<65536xf32, #tpu.memory_space<vmem>>, %arg6: memref<4096xi32, #tpu.memory_space<vmem>>, %arg7: memref<16xi32, #tpu.memory_space<vmem>>) attributes {dimension_semantics = [#tpu.dimension_semantics<core_parallel>, #tpu.dimension_semantics<subcore_parallel>], iteration_bounds = array<i64: 2, 16>, scalar_prefetch = 0 : i64, scratch_operands = 3 : i64, tpu.core_type = #tpu.core_type<sc_vector_subcore>, window_params = [{transform_indices = #map}, {transform_indices = #map}, {transform_indices = #map1}]} {
    %mul3A = arith.constant 2 : i32
    %mul3A_0 = arith.muli %arg1, %mul3A : i32
    %add3A = arith.addi %mul3A_0, %arg0 : i32
    %mul3A_1 = arith.constant 524288 : i32
    %mul3A_2 = arith.muli %add3A, %mul3A_1 : i32
    %iota3A = tpu.iota {dimensions = array<i32: 0>} : vector<16xi32>
    %broadcast_in_dim3A = arith.constant 1 : i32
    %broadcast_in_dim3A_3 = vector.broadcast %broadcast_in_dim3A : i32 to vector<16xi32>
    %broadcast_in_dim3A_4 = arith.constant 0 : i32
    %broadcast_in_dim3A_5 = vector.broadcast %broadcast_in_dim3A_4 : i32 to vector<16xi32>
    %scan3A = arith.constant 0 : i32
    %scan3A_6 = arith.constant 0 : i32
    %scan3A_7 = arith.constant 256 : i32
    %scan3A_8 = arith.addi %scan3A_6, %scan3A_7 : i32
    %scan3A_9 = arith.constant 1 : i32
    %scan3A_10 = scf.for %scan3A_24 = %scan3A_6 to %scan3A_8 step %scan3A_9 iter_args(%scan3A_25 = %scan3A) -> (i32)  : i32 {
      %mul3A_26 = arith.constant 16 : i32
      %mul3A_27 = arith.muli %scan3A_24, %mul3A_26 : i32
      %swap3A = arith.index_cast %mul3A_27 : i32 to index
      %swap3A_28 = tpu.vector_load %arg6[%swap3A] {strides = array<i32>} : memref<4096xi32, #tpu.memory_space<vmem>>, vector<16xi32>,
      tpu.vector_store %arg6[%swap3A], %broadcast_in_dim3A_5 {strides = array<i32>} : memref<4096xi32, #tpu.memory_space<vmem>>, vector<16xi32>,
      %scan3A_29 = arith.constant 0 : i32
      scf.yield %scan3A_29 : i32
    }
    %scan3A_11 = arith.constant 256 : i32
    "tpu.region"() ({
      %run_scoped3A = tpu.sem_alloc : memref<!tpu.dma_semaphore, #tpu.memory_space<semaphore_mem>>
      tpu.enqueue_dma source(%arg3 : memref<16xi32, #tpu.memory_space<hbm>>) target(%arg7 : memref<16xi32, #tpu.memory_space<vmem>>) target_semaphore(%run_scoped3A : memref<!tpu.dma_semaphore, #tpu.memory_space<semaphore_mem>>)
      tpu.wait_dma2 semaphore(%run_scoped3A : memref<!tpu.dma_semaphore, #tpu.memory_space<semaphore_mem>>) src(%arg3 : memref<16xi32, #tpu.memory_space<hbm>>) dst(%arg7 : memref<16xi32, #tpu.memory_space<vmem>>)
      tpu.yield
    }) : () -> ()
    %get3A = arith.constant 0 : index
    %get3A_12 = tpu.vector_load %arg7[%get3A] {strides = array<i32>} : memref<16xi32, #tpu.memory_space<vmem>>, vector<16xi32>,
    %scan3A_13 = arith.constant 9.990000e-01 : f32
    %scan3A_14 = arith.constant 0 : i32
    %scan3A_15 = arith.constant 0 : i32
    %scan3A_16 = arith.constant 8 : i32
    %scan3A_17 = arith.addi %scan3A_15, %scan3A_16 : i32
    %scan3A_18 = arith.constant 1 : i32
    %scan3A_19 = scf.for %scan3A_24 = %scan3A_15 to %scan3A_17 step %scan3A_18 iter_args(%scan3A_25 = %scan3A_14) -> (i32)  : i32 {
      %mul3A_26 = arith.constant 65536 : i32
      %mul3A_27 = arith.muli %scan3A_24, %mul3A_26 : i32
      %add3A_28 = arith.addi %mul3A_2, %mul3A_27 : i32
      "tpu.region"() ({
        %run_scoped3A = tpu.sem_alloc : memref<!tpu.dma_semaphore, #tpu.memory_space<semaphore_mem>>
        %dma_start3A = tpu.memref_slice %arg2[%add3A_28] : memref<16777216xf32, #tpu.memory_space<hbm>> -> memref<65536xf32, #tpu.memory_space<hbm>>
        %dma_start3A_37 = tpu.memref_slice %arg2[%add3A_28] : memref<16777216xf32, #tpu.memory_space<hbm>> -> memref<65536xf32, #tpu.memory_space<hbm>>
        tpu.enqueue_dma source(%dma_start3A_37 : memref<65536xf32, #tpu.memory_space<hbm>>) target(%arg5 : memref<65536xf32, #tpu.memory_space<vmem>>) target_semaphore(%run_scoped3A : memref<!tpu.dma_semaphore, #tpu.memory_space<semaphore_mem>>)
        %dma_wait3A = tpu.memref_slice %arg2[%add3A_28] : memref<16777216xf32, #tpu.memory_space<hbm>> -> memref<65536xf32, #tpu.memory_space<hbm>>
        %dma_wait3A_38 = tpu.memref_slice %arg2[%add3A_28] : memref<16777216xf32, #tpu.memory_space<hbm>> -> memref<65536xf32, #tpu.memory_space<hbm>>
        tpu.wait_dma2 semaphore(%run_scoped3A : memref<!tpu.dma_semaphore, #tpu.memory_space<semaphore_mem>>) src(%dma_wait3A_38 : memref<65536xf32, #tpu.memory_space<hbm>>) dst(%arg5 : memref<65536xf32, #tpu.memory_space<vmem>>)
        tpu.yield
      }) : () -> ()
      %scan3A_29 = arith.constant 0 : i32
      %scan3A_30 = arith.constant 0 : i32
      %scan3A_31 = arith.constant 4096 : i32
      %scan3A_32 = arith.addi %scan3A_30, %scan3A_31 : i32
      %scan3A_33 = arith.constant 1 : i32
      %scan3A_34 = scf.for %scan3A_37 = %scan3A_30 to %scan3A_32 step %scan3A_33 iter_args(%scan3A_38 = %scan3A_29) -> (i32)  : i32 {
        %mul3A_39 = arith.constant 16 : i32
        %mul3A_40 = arith.muli %scan3A_37, %mul3A_39 : i32
        %get3A_41 = arith.index_cast %mul3A_40 : i32 to index
        %get3A_42 = tpu.vector_load %arg5[%get3A_41] {strides = array<i32>} : memref<65536xf32, #tpu.memory_space<vmem>>, vector<16xf32>,
        %get3A_43 = vector.shape_cast %get3A_42 : vector<16xf32> to vector<16xf32>
        %bitcast_convert_type3A = tpu.bitcast %get3A_43 : vector<16xf32> -> vector<16xi32>
        %ge3A = arith.constant -2147483648 : i32
        %ge3A_44 = vector.broadcast %ge3A : i32 to vector<16xi32>
        %ge3A_45 = arith.cmpi uge, %bitcast_convert_type3A, %ge3A_44 : vector<16xi32>
        %jit3A = arith.constant -1 : i32
        %jit3A_46 = arith.constant -2147483648 : i32
        %broadcast_in_dim3A_47 = vector.broadcast %jit3A : i32 to vector<16xi32>
        %broadcast_in_dim3A_48 = vector.broadcast %jit3A_46 : i32 to vector<16xi32>
        %select_n3A = arith.select %ge3A_45, %broadcast_in_dim3A_47, %broadcast_in_dim3A_48 : vector<16xi1>, vector<16xi32>
        %xor3A = arith.xori %bitcast_convert_type3A, %select_n3A : vector<16xi32>
        %lt3A = vector.broadcast %scan3A_13 : f32 to vector<16xf32>
        %lt3A_49 = arith.cmpf olt, %get3A_43, %lt3A : vector<16xf32>
        %shift_right_logical3A = arith.constant 24 : i32
        %shift_right_logical3A_50 = vector.broadcast %shift_right_logical3A : i32 to vector<16xi32>
        %shift_right_logical3A_51 = arith.shrui %xor3A, %shift_right_logical3A_50 : vector<16xi32>
        %eq3A = arith.cmpi eq, %shift_right_logical3A_51, %get3A_12 : vector<16xi32>
        %and3A = arith.andi %lt3A_49, %eq3A : vector<16xi1>
        %shift_right_logical3A_52 = arith.constant 16 : i32
        %shift_right_logical3A_53 = vector.broadcast %shift_right_logical3A_52 : i32 to vector<16xi32>
        %shift_right_logical3A_54 = arith.shrui %xor3A, %shift_right_logical3A_53 : vector<16xi32>
        %and3A_55 = arith.constant 255 : i32
        %and3A_56 = vector.broadcast %and3A_55 : i32 to vector<16xi32>
        %and3A_57 = arith.andi %shift_right_logical3A_54, %and3A_56 : vector<16xi32>
        %mul3A_58 = arith.constant 16 : i32
        %mul3A_59 = vector.broadcast %mul3A_58 : i32 to vector<16xi32>
        %mul3A_60 = arith.muli %and3A_57, %mul3A_59 : vector<16xi32>
        %add3A_61 = arith.addi %mul3A_60, %iota3A : vector<16xi32>
        tpu.vector_store_idx %arg6[%add3A_61], %broadcast_in_dim3A_3 masked %and3A {add = true} : memref<4096xi32, #tpu.memory_space<vmem>>[vector<16xi32>], vector<16xi32>, vector<16xi1>
        %scan3A_62 = arith.constant 0 : i32
        scf.yield %scan3A_62 : i32
      }
      %scan3A_35 = arith.constant 4096 : i32
      %scan3A_36 = arith.constant 0 : i32
      scf.yield %scan3A_36 : i32
    }
    %scan3A_20 = arith.constant 8 : i32
    %mul3A_21 = arith.constant 2 : i32
    %mul3A_22 = arith.muli %arg1, %mul3A_21 : i32
    %add3A_23 = arith.addi %mul3A_22, %arg0 : i32
    "tpu.region"() ({
      %run_scoped3A = tpu.sem_alloc : memref<!tpu.dma_semaphore, #tpu.memory_space<semaphore_mem>>
      %dma_start3A = arith.constant 0 : i32
      %dma_start3A_24 = tpu.memref_slice %arg4[%add3A_23, %dma_start3A] : memref<32x4096xi32, #tpu.memory_space<hbm>> -> memref<1x4096xi32, #tpu.memory_space<hbm>>
      %dma_start3A_25 = tpu.memref_squeeze %dma_start3A_24 : memref<1x4096xi32, #tpu.memory_space<hbm>> -> memref<4096xi32, #tpu.memory_space<hbm>>
      %dma_start3A_26 = arith.constant 0 : i32
      %dma_start3A_27 = tpu.memref_slice %arg4[%add3A_23, %dma_start3A_26] : memref<32x4096xi32, #tpu.memory_space<hbm>> -> memref<1x4096xi32, #tpu.memory_space<hbm>>
      %dma_start3A_28 = tpu.memref_squeeze %dma_start3A_27 : memref<1x4096xi32, #tpu.memory_space<hbm>> -> memref<4096xi32, #tpu.memory_space<hbm>>
      tpu.enqueue_dma source(%arg6 : memref<4096xi32, #tpu.memory_space<vmem>>) target(%dma_start3A_28 : memref<4096xi32, #tpu.memory_space<hbm>>) target_semaphore(%run_scoped3A : memref<!tpu.dma_semaphore, #tpu.memory_space<semaphore_mem>>)
      %dma_wait3A = arith.constant 0 : i32
      %dma_wait3A_29 = tpu.memref_slice %arg4[%add3A_23, %dma_wait3A] : memref<32x4096xi32, #tpu.memory_space<hbm>> -> memref<1x4096xi32, #tpu.memory_space<hbm>>
      %dma_wait3A_30 = tpu.memref_squeeze %dma_wait3A_29 : memref<1x4096xi32, #tpu.memory_space<hbm>> -> memref<4096xi32, #tpu.memory_space<hbm>>
      %dma_wait3A_31 = arith.constant 0 : i32
      %dma_wait3A_32 = tpu.memref_slice %arg4[%add3A_23, %dma_wait3A_31] : memref<32x4096xi32, #tpu.memory_space<hbm>> -> memref<1x4096xi32, #tpu.memory_space<hbm>>
      %dma_wait3A_33 = tpu.memref_squeeze %dma_wait3A_32 : memref<1x4096xi32, #tpu.memory_space<hbm>> -> memref<4096xi32, #tpu.memory_space<hbm>>
      tpu.wait_dma2 semaphore(%run_scoped3A : memref<!tpu.dma_semaphore, #tpu.memory_space<semaphore_mem>>) src(%arg6 : memref<4096xi32, #tpu.memory_space<vmem>>) dst(%dma_wait3A_33 : memref<4096xi32, #tpu.memory_space<hbm>>)
      tpu.yield
    }) : () -> ()
    return
  }
}

#map = affine_map<(d0, d1) -> (0)>
#map1 = affine_map<(d0, d1) -> (0, 0)>
module attributes {stable_mosaic.version = 14 : i64} {
  func.func @hist_kernel(%arg0: i32, %arg1: i32, %arg2: memref<16777216xf32, #tpu.memory_space<hbm>>, %arg3: memref<16xi32, #tpu.memory_space<hbm>>, %arg4: memref<32x4096xi32, #tpu.memory_space<hbm>>, %arg5: memref<65536xf32, #tpu.memory_space<vmem>>, %arg6: memref<4096xi32, #tpu.memory_space<vmem>>, %arg7: memref<16xi32, #tpu.memory_space<vmem>>) attributes {dimension_semantics = [#tpu.dimension_semantics<core_parallel>, #tpu.dimension_semantics<subcore_parallel>], iteration_bounds = array<i64: 2, 16>, scalar_prefetch = 0 : i64, scratch_operands = 3 : i64, tpu.core_type = #tpu.core_type<sc_vector_subcore>, window_params = [{transform_indices = #map}, {transform_indices = #map}, {transform_indices = #map1}]} {
    %mul3A = arith.constant 2 : i32
    %mul3A_0 = arith.muli %arg1, %mul3A : i32
    %add3A = arith.addi %mul3A_0, %arg0 : i32
    %mul3A_1 = arith.constant 524288 : i32
    %mul3A_2 = arith.muli %add3A, %mul3A_1 : i32
    %iota3A = tpu.iota {dimensions = array<i32: 0>} : vector<16xi32>
    %broadcast_in_dim3A = arith.constant 1 : i32
    %broadcast_in_dim3A_3 = vector.broadcast %broadcast_in_dim3A : i32 to vector<16xi32>
    %broadcast_in_dim3A_4 = arith.constant 0 : i32
    %broadcast_in_dim3A_5 = vector.broadcast %broadcast_in_dim3A_4 : i32 to vector<16xi32>
    %scan3A = arith.constant 0 : i32
    %scan3A_6 = arith.constant 0 : i32
    %scan3A_7 = arith.constant 256 : i32
    %scan3A_8 = arith.addi %scan3A_6, %scan3A_7 : i32
    %scan3A_9 = arith.constant 1 : i32
    %scan3A_10 = scf.for %scan3A_24 = %scan3A_6 to %scan3A_8 step %scan3A_9 iter_args(%scan3A_25 = %scan3A) -> (i32)  : i32 {
      %mul3A_26 = arith.constant 16 : i32
      %mul3A_27 = arith.muli %scan3A_24, %mul3A_26 : i32
      %swap3A = arith.index_cast %mul3A_27 : i32 to index
      %swap3A_28 = tpu.vector_load %arg6[%swap3A] {strides = array<i32>} : memref<4096xi32, #tpu.memory_space<vmem>>, vector<16xi32>,
      tpu.vector_store %arg6[%swap3A], %broadcast_in_dim3A_5 {strides = array<i32>} : memref<4096xi32, #tpu.memory_space<vmem>>, vector<16xi32>,
      %scan3A_29 = arith.constant 0 : i32
      scf.yield %scan3A_29 : i32
    }
    %scan3A_11 = arith.constant 256 : i32
    "tpu.region"() ({
      %run_scoped3A = tpu.sem_alloc : memref<!tpu.dma_semaphore, #tpu.memory_space<semaphore_mem>>
      tpu.enqueue_dma source(%arg3 : memref<16xi32, #tpu.memory_space<hbm>>) target(%arg7 : memref<16xi32, #tpu.memory_space<vmem>>) target_semaphore(%run_scoped3A : memref<!tpu.dma_semaphore, #tpu.memory_space<semaphore_mem>>)
      tpu.wait_dma2 semaphore(%run_scoped3A : memref<!tpu.dma_semaphore, #tpu.memory_space<semaphore_mem>>) src(%arg3 : memref<16xi32, #tpu.memory_space<hbm>>) dst(%arg7 : memref<16xi32, #tpu.memory_space<vmem>>)
      tpu.yield
    }) : () -> ()
    %get3A = arith.constant 0 : index
    %get3A_12 = tpu.vector_load %arg7[%get3A] {strides = array<i32>} : memref<16xi32, #tpu.memory_space<vmem>>, vector<16xi32>,
    %scan3A_13 = arith.constant 9.990000e-01 : f32
    %scan3A_14 = arith.constant 0 : i32
    %scan3A_15 = arith.constant 0 : i32
    %scan3A_16 = arith.constant 8 : i32
    %scan3A_17 = arith.addi %scan3A_15, %scan3A_16 : i32
    %scan3A_18 = arith.constant 1 : i32
    %scan3A_19 = scf.for %scan3A_24 = %scan3A_15 to %scan3A_17 step %scan3A_18 iter_args(%scan3A_25 = %scan3A_14) -> (i32)  : i32 {
      %mul3A_26 = arith.constant 65536 : i32
      %mul3A_27 = arith.muli %scan3A_24, %mul3A_26 : i32
      %add3A_28 = arith.addi %mul3A_2, %mul3A_27 : i32
      "tpu.region"() ({
        %run_scoped3A = tpu.sem_alloc : memref<!tpu.dma_semaphore, #tpu.memory_space<semaphore_mem>>
        %dma_start3A = tpu.memref_slice %arg2[%add3A_28] : memref<16777216xf32, #tpu.memory_space<hbm>> -> memref<65536xf32, #tpu.memory_space<hbm>>
        %dma_start3A_37 = tpu.memref_slice %arg2[%add3A_28] : memref<16777216xf32, #tpu.memory_space<hbm>> -> memref<65536xf32, #tpu.memory_space<hbm>>
        tpu.enqueue_dma source(%dma_start3A_37 : memref<65536xf32, #tpu.memory_space<hbm>>) target(%arg5 : memref<65536xf32, #tpu.memory_space<vmem>>) target_semaphore(%run_scoped3A : memref<!tpu.dma_semaphore, #tpu.memory_space<semaphore_mem>>)
        %dma_wait3A = tpu.memref_slice %arg2[%add3A_28] : memref<16777216xf32, #tpu.memory_space<hbm>> -> memref<65536xf32, #tpu.memory_space<hbm>>
        %dma_wait3A_38 = tpu.memref_slice %arg2[%add3A_28] : memref<16777216xf32, #tpu.memory_space<hbm>> -> memref<65536xf32, #tpu.memory_space<hbm>>
        tpu.wait_dma2 semaphore(%run_scoped3A : memref<!tpu.dma_semaphore, #tpu.memory_space<semaphore_mem>>) src(%dma_wait3A_38 : memref<65536xf32, #tpu.memory_space<hbm>>) dst(%arg5 : memref<65536xf32, #tpu.memory_space<vmem>>)
        tpu.yield
      }) : () -> ()
      %scan3A_29 = arith.constant 0 : i32
      %scan3A_30 = arith.constant 0 : i32
      %scan3A_31 = arith.constant 4096 : i32
      %scan3A_32 = arith.addi %scan3A_30, %scan3A_31 : i32
      %scan3A_33 = arith.constant 1 : i32
      %scan3A_34 = scf.for %scan3A_37 = %scan3A_30 to %scan3A_32 step %scan3A_33 iter_args(%scan3A_38 = %scan3A_29) -> (i32)  : i32 {
        %mul3A_39 = arith.constant 16 : i32
        %mul3A_40 = arith.muli %scan3A_37, %mul3A_39 : i32
        %get3A_41 = arith.index_cast %mul3A_40 : i32 to index
        %get3A_42 = tpu.vector_load %arg5[%get3A_41] {strides = array<i32>} : memref<65536xf32, #tpu.memory_space<vmem>>, vector<16xf32>,
        %get3A_43 = vector.shape_cast %get3A_42 : vector<16xf32> to vector<16xf32>
        %bitcast_convert_type3A = tpu.bitcast %get3A_43 : vector<16xf32> -> vector<16xi32>
        %ge3A = arith.constant -2147483648 : i32
        %ge3A_44 = vector.broadcast %ge3A : i32 to vector<16xi32>
        %ge3A_45 = arith.cmpi uge, %bitcast_convert_type3A, %ge3A_44 : vector<16xi32>
        %jit3A = arith.constant -1 : i32
        %jit3A_46 = arith.constant -2147483648 : i32
        %broadcast_in_dim3A_47 = vector.broadcast %jit3A : i32 to vector<16xi32>
        %broadcast_in_dim3A_48 = vector.broadcast %jit3A_46 : i32 to vector<16xi32>
        %select_n3A = arith.select %ge3A_45, %broadcast_in_dim3A_47, %broadcast_in_dim3A_48 : vector<16xi1>, vector<16xi32>
        %xor3A = arith.xori %bitcast_convert_type3A, %select_n3A : vector<16xi32>
        %lt3A = vector.broadcast %scan3A_13 : f32 to vector<16xf32>
        %lt3A_49 = arith.cmpf olt, %get3A_43, %lt3A : vector<16xf32>
        %shift_right_logical3A = arith.constant 16 : i32
        %shift_right_logical3A_50 = vector.broadcast %shift_right_logical3A : i32 to vector<16xi32>
        %shift_right_logical3A_51 = arith.shrui %xor3A, %shift_right_logical3A_50 : vector<16xi32>
        %eq3A = arith.cmpi eq, %shift_right_logical3A_51, %get3A_12 : vector<16xi32>
        %and3A = arith.andi %lt3A_49, %eq3A : vector<16xi1>
        %shift_right_logical3A_52 = arith.constant 8 : i32
        %shift_right_logical3A_53 = vector.broadcast %shift_right_logical3A_52 : i32 to vector<16xi32>
        %shift_right_logical3A_54 = arith.shrui %xor3A, %shift_right_logical3A_53 : vector<16xi32>
        %and3A_55 = arith.constant 255 : i32
        %and3A_56 = vector.broadcast %and3A_55 : i32 to vector<16xi32>
        %and3A_57 = arith.andi %shift_right_logical3A_54, %and3A_56 : vector<16xi32>
        %mul3A_58 = arith.constant 16 : i32
        %mul3A_59 = vector.broadcast %mul3A_58 : i32 to vector<16xi32>
        %mul3A_60 = arith.muli %and3A_57, %mul3A_59 : vector<16xi32>
        %add3A_61 = arith.addi %mul3A_60, %iota3A : vector<16xi32>
        tpu.vector_store_idx %arg6[%add3A_61], %broadcast_in_dim3A_3 masked %and3A {add = true} : memref<4096xi32, #tpu.memory_space<vmem>>[vector<16xi32>], vector<16xi32>, vector<16xi1>
        %scan3A_62 = arith.constant 0 : i32
        scf.yield %scan3A_62 : i32
      }
      %scan3A_35 = arith.constant 4096 : i32
      %scan3A_36 = arith.constant 0 : i32
      scf.yield %scan3A_36 : i32
    }
    %scan3A_20 = arith.constant 8 : i32
    %mul3A_21 = arith.constant 2 : i32
    %mul3A_22 = arith.muli %arg1, %mul3A_21 : i32
    %add3A_23 = arith.addi %mul3A_22, %arg0 : i32
    "tpu.region"() ({
      %run_scoped3A = tpu.sem_alloc : memref<!tpu.dma_semaphore, #tpu.memory_space<semaphore_mem>>
      %dma_start3A = arith.constant 0 : i32
      %dma_start3A_24 = tpu.memref_slice %arg4[%add3A_23, %dma_start3A] : memref<32x4096xi32, #tpu.memory_space<hbm>> -> memref<1x4096xi32, #tpu.memory_space<hbm>>
      %dma_start3A_25 = tpu.memref_squeeze %dma_start3A_24 : memref<1x4096xi32, #tpu.memory_space<hbm>> -> memref<4096xi32, #tpu.memory_space<hbm>>
      %dma_start3A_26 = arith.constant 0 : i32
      %dma_start3A_27 = tpu.memref_slice %arg4[%add3A_23, %dma_start3A_26] : memref<32x4096xi32, #tpu.memory_space<hbm>> -> memref<1x4096xi32, #tpu.memory_space<hbm>>
      %dma_start3A_28 = tpu.memref_squeeze %dma_start3A_27 : memref<1x4096xi32, #tpu.memory_space<hbm>> -> memref<4096xi32, #tpu.memory_space<hbm>>
      tpu.enqueue_dma source(%arg6 : memref<4096xi32, #tpu.memory_space<vmem>>) target(%dma_start3A_28 : memref<4096xi32, #tpu.memory_space<hbm>>) target_semaphore(%run_scoped3A : memref<!tpu.dma_semaphore, #tpu.memory_space<semaphore_mem>>)
      %dma_wait3A = arith.constant 0 : i32
      %dma_wait3A_29 = tpu.memref_slice %arg4[%add3A_23, %dma_wait3A] : memref<32x4096xi32, #tpu.memory_space<hbm>> -> memref<1x4096xi32, #tpu.memory_space<hbm>>
      %dma_wait3A_30 = tpu.memref_squeeze %dma_wait3A_29 : memref<1x4096xi32, #tpu.memory_space<hbm>> -> memref<4096xi32, #tpu.memory_space<hbm>>
      %dma_wait3A_31 = arith.constant 0 : i32
      %dma_wait3A_32 = tpu.memref_slice %arg4[%add3A_23, %dma_wait3A_31] : memref<32x4096xi32, #tpu.memory_space<hbm>> -> memref<1x4096xi32, #tpu.memory_space<hbm>>
      %dma_wait3A_33 = tpu.memref_squeeze %dma_wait3A_32 : memref<1x4096xi32, #tpu.memory_space<hbm>> -> memref<4096xi32, #tpu.memory_space<hbm>>
      tpu.wait_dma2 semaphore(%run_scoped3A : memref<!tpu.dma_semaphore, #tpu.memory_space<semaphore_mem>>) src(%arg6 : memref<4096xi32, #tpu.memory_space<vmem>>) dst(%dma_wait3A_33 : memref<4096xi32, #tpu.memory_space<hbm>>)
      tpu.yield
    }) : () -> ()
    return
  }
}

#map = affine_map<(d0, d1) -> (0)>
#map1 = affine_map<(d0, d1) -> (0, 0)>
module attributes {stable_mosaic.version = 14 : i64} {
  func.func @hist_kernel(%arg0: i32, %arg1: i32, %arg2: memref<16777216xf32, #tpu.memory_space<hbm>>, %arg3: memref<16xi32, #tpu.memory_space<hbm>>, %arg4: memref<32x4096xi32, #tpu.memory_space<hbm>>, %arg5: memref<65536xf32, #tpu.memory_space<vmem>>, %arg6: memref<4096xi32, #tpu.memory_space<vmem>>, %arg7: memref<16xi32, #tpu.memory_space<vmem>>) attributes {dimension_semantics = [#tpu.dimension_semantics<core_parallel>, #tpu.dimension_semantics<subcore_parallel>], iteration_bounds = array<i64: 2, 16>, scalar_prefetch = 0 : i64, scratch_operands = 3 : i64, tpu.core_type = #tpu.core_type<sc_vector_subcore>, window_params = [{transform_indices = #map}, {transform_indices = #map}, {transform_indices = #map1}]} {
    %mul3A = arith.constant 2 : i32
    %mul3A_0 = arith.muli %arg1, %mul3A : i32
    %add3A = arith.addi %mul3A_0, %arg0 : i32
    %mul3A_1 = arith.constant 524288 : i32
    %mul3A_2 = arith.muli %add3A, %mul3A_1 : i32
    %iota3A = tpu.iota {dimensions = array<i32: 0>} : vector<16xi32>
    %broadcast_in_dim3A = arith.constant 1 : i32
    %broadcast_in_dim3A_3 = vector.broadcast %broadcast_in_dim3A : i32 to vector<16xi32>
    %broadcast_in_dim3A_4 = arith.constant 0 : i32
    %broadcast_in_dim3A_5 = vector.broadcast %broadcast_in_dim3A_4 : i32 to vector<16xi32>
    %scan3A = arith.constant 0 : i32
    %scan3A_6 = arith.constant 0 : i32
    %scan3A_7 = arith.constant 256 : i32
    %scan3A_8 = arith.addi %scan3A_6, %scan3A_7 : i32
    %scan3A_9 = arith.constant 1 : i32
    %scan3A_10 = scf.for %scan3A_24 = %scan3A_6 to %scan3A_8 step %scan3A_9 iter_args(%scan3A_25 = %scan3A) -> (i32)  : i32 {
      %mul3A_26 = arith.constant 16 : i32
      %mul3A_27 = arith.muli %scan3A_24, %mul3A_26 : i32
      %swap3A = arith.index_cast %mul3A_27 : i32 to index
      %swap3A_28 = tpu.vector_load %arg6[%swap3A] {strides = array<i32>} : memref<4096xi32, #tpu.memory_space<vmem>>, vector<16xi32>,
      tpu.vector_store %arg6[%swap3A], %broadcast_in_dim3A_5 {strides = array<i32>} : memref<4096xi32, #tpu.memory_space<vmem>>, vector<16xi32>,
      %scan3A_29 = arith.constant 0 : i32
      scf.yield %scan3A_29 : i32
    }
    %scan3A_11 = arith.constant 256 : i32
    "tpu.region"() ({
      %run_scoped3A = tpu.sem_alloc : memref<!tpu.dma_semaphore, #tpu.memory_space<semaphore_mem>>
      tpu.enqueue_dma source(%arg3 : memref<16xi32, #tpu.memory_space<hbm>>) target(%arg7 : memref<16xi32, #tpu.memory_space<vmem>>) target_semaphore(%run_scoped3A : memref<!tpu.dma_semaphore, #tpu.memory_space<semaphore_mem>>)
      tpu.wait_dma2 semaphore(%run_scoped3A : memref<!tpu.dma_semaphore, #tpu.memory_space<semaphore_mem>>) src(%arg3 : memref<16xi32, #tpu.memory_space<hbm>>) dst(%arg7 : memref<16xi32, #tpu.memory_space<vmem>>)
      tpu.yield
    }) : () -> ()
    %get3A = arith.constant 0 : index
    %get3A_12 = tpu.vector_load %arg7[%get3A] {strides = array<i32>} : memref<16xi32, #tpu.memory_space<vmem>>, vector<16xi32>,
    %scan3A_13 = arith.constant 9.990000e-01 : f32
    %scan3A_14 = arith.constant 0 : i32
    %scan3A_15 = arith.constant 0 : i32
    %scan3A_16 = arith.constant 8 : i32
    %scan3A_17 = arith.addi %scan3A_15, %scan3A_16 : i32
    %scan3A_18 = arith.constant 1 : i32
    %scan3A_19 = scf.for %scan3A_24 = %scan3A_15 to %scan3A_17 step %scan3A_18 iter_args(%scan3A_25 = %scan3A_14) -> (i32)  : i32 {
      %mul3A_26 = arith.constant 65536 : i32
      %mul3A_27 = arith.muli %scan3A_24, %mul3A_26 : i32
      %add3A_28 = arith.addi %mul3A_2, %mul3A_27 : i32
      "tpu.region"() ({
        %run_scoped3A = tpu.sem_alloc : memref<!tpu.dma_semaphore, #tpu.memory_space<semaphore_mem>>
        %dma_start3A = tpu.memref_slice %arg2[%add3A_28] : memref<16777216xf32, #tpu.memory_space<hbm>> -> memref<65536xf32, #tpu.memory_space<hbm>>
        %dma_start3A_37 = tpu.memref_slice %arg2[%add3A_28] : memref<16777216xf32, #tpu.memory_space<hbm>> -> memref<65536xf32, #tpu.memory_space<hbm>>
        tpu.enqueue_dma source(%dma_start3A_37 : memref<65536xf32, #tpu.memory_space<hbm>>) target(%arg5 : memref<65536xf32, #tpu.memory_space<vmem>>) target_semaphore(%run_scoped3A : memref<!tpu.dma_semaphore, #tpu.memory_space<semaphore_mem>>)
        %dma_wait3A = tpu.memref_slice %arg2[%add3A_28] : memref<16777216xf32, #tpu.memory_space<hbm>> -> memref<65536xf32, #tpu.memory_space<hbm>>
        %dma_wait3A_38 = tpu.memref_slice %arg2[%add3A_28] : memref<16777216xf32, #tpu.memory_space<hbm>> -> memref<65536xf32, #tpu.memory_space<hbm>>
        tpu.wait_dma2 semaphore(%run_scoped3A : memref<!tpu.dma_semaphore, #tpu.memory_space<semaphore_mem>>) src(%dma_wait3A_38 : memref<65536xf32, #tpu.memory_space<hbm>>) dst(%arg5 : memref<65536xf32, #tpu.memory_space<vmem>>)
        tpu.yield
      }) : () -> ()
      %scan3A_29 = arith.constant 0 : i32
      %scan3A_30 = arith.constant 0 : i32
      %scan3A_31 = arith.constant 4096 : i32
      %scan3A_32 = arith.addi %scan3A_30, %scan3A_31 : i32
      %scan3A_33 = arith.constant 1 : i32
      %scan3A_34 = scf.for %scan3A_37 = %scan3A_30 to %scan3A_32 step %scan3A_33 iter_args(%scan3A_38 = %scan3A_29) -> (i32)  : i32 {
        %mul3A_39 = arith.constant 16 : i32
        %mul3A_40 = arith.muli %scan3A_37, %mul3A_39 : i32
        %get3A_41 = arith.index_cast %mul3A_40 : i32 to index
        %get3A_42 = tpu.vector_load %arg5[%get3A_41] {strides = array<i32>} : memref<65536xf32, #tpu.memory_space<vmem>>, vector<16xf32>,
        %get3A_43 = vector.shape_cast %get3A_42 : vector<16xf32> to vector<16xf32>
        %bitcast_convert_type3A = tpu.bitcast %get3A_43 : vector<16xf32> -> vector<16xi32>
        %ge3A = arith.constant -2147483648 : i32
        %ge3A_44 = vector.broadcast %ge3A : i32 to vector<16xi32>
        %ge3A_45 = arith.cmpi uge, %bitcast_convert_type3A, %ge3A_44 : vector<16xi32>
        %jit3A = arith.constant -1 : i32
        %jit3A_46 = arith.constant -2147483648 : i32
        %broadcast_in_dim3A_47 = vector.broadcast %jit3A : i32 to vector<16xi32>
        %broadcast_in_dim3A_48 = vector.broadcast %jit3A_46 : i32 to vector<16xi32>
        %select_n3A = arith.select %ge3A_45, %broadcast_in_dim3A_47, %broadcast_in_dim3A_48 : vector<16xi1>, vector<16xi32>
        %xor3A = arith.xori %bitcast_convert_type3A, %select_n3A : vector<16xi32>
        %lt3A = vector.broadcast %scan3A_13 : f32 to vector<16xf32>
        %lt3A_49 = arith.cmpf olt, %get3A_43, %lt3A : vector<16xf32>
        %shift_right_logical3A = arith.constant 8 : i32
        %shift_right_logical3A_50 = vector.broadcast %shift_right_logical3A : i32 to vector<16xi32>
        %shift_right_logical3A_51 = arith.shrui %xor3A, %shift_right_logical3A_50 : vector<16xi32>
        %eq3A = arith.cmpi eq, %shift_right_logical3A_51, %get3A_12 : vector<16xi32>
        %and3A = arith.andi %lt3A_49, %eq3A : vector<16xi1>
        %shift_right_logical3A_52 = arith.constant 0 : i32
        %shift_right_logical3A_53 = vector.broadcast %shift_right_logical3A_52 : i32 to vector<16xi32>
        %shift_right_logical3A_54 = arith.shrui %xor3A, %shift_right_logical3A_53 : vector<16xi32>
        %and3A_55 = arith.constant 255 : i32
        %and3A_56 = vector.broadcast %and3A_55 : i32 to vector<16xi32>
        %and3A_57 = arith.andi %shift_right_logical3A_54, %and3A_56 : vector<16xi32>
        %mul3A_58 = arith.constant 16 : i32
        %mul3A_59 = vector.broadcast %mul3A_58 : i32 to vector<16xi32>
        %mul3A_60 = arith.muli %and3A_57, %mul3A_59 : vector<16xi32>
        %add3A_61 = arith.addi %mul3A_60, %iota3A : vector<16xi32>
        tpu.vector_store_idx %arg6[%add3A_61], %broadcast_in_dim3A_3 masked %and3A {add = true} : memref<4096xi32, #tpu.memory_space<vmem>>[vector<16xi32>], vector<16xi32>, vector<16xi1>
        %scan3A_62 = arith.constant 0 : i32
        scf.yield %scan3A_62 : i32
      }
      %scan3A_35 = arith.constant 4096 : i32
      %scan3A_36 = arith.constant 0 : i32
      scf.yield %scan3A_36 : i32
    }
    %scan3A_20 = arith.constant 8 : i32
    %mul3A_21 = arith.constant 2 : i32
    %mul3A_22 = arith.muli %arg1, %mul3A_21 : i32
    %add3A_23 = arith.addi %mul3A_22, %arg0 : i32
    "tpu.region"() ({
      %run_scoped3A = tpu.sem_alloc : memref<!tpu.dma_semaphore, #tpu.memory_space<semaphore_mem>>
      %dma_start3A = arith.constant 0 : i32
      %dma_start3A_24 = tpu.memref_slice %arg4[%add3A_23, %dma_start3A] : memref<32x4096xi32, #tpu.memory_space<hbm>> -> memref<1x4096xi32, #tpu.memory_space<hbm>>
      %dma_start3A_25 = tpu.memref_squeeze %dma_start3A_24 : memref<1x4096xi32, #tpu.memory_space<hbm>> -> memref<4096xi32, #tpu.memory_space<hbm>>
      %dma_start3A_26 = arith.constant 0 : i32
      %dma_start3A_27 = tpu.memref_slice %arg4[%add3A_23, %dma_start3A_26] : memref<32x4096xi32, #tpu.memory_space<hbm>> -> memref<1x4096xi32, #tpu.memory_space<hbm>>
      %dma_start3A_28 = tpu.memref_squeeze %dma_start3A_27 : memref<1x4096xi32, #tpu.memory_space<hbm>> -> memref<4096xi32, #tpu.memory_space<hbm>>
      tpu.enqueue_dma source(%arg6 : memref<4096xi32, #tpu.memory_space<vmem>>) target(%dma_start3A_28 : memref<4096xi32, #tpu.memory_space<hbm>>) target_semaphore(%run_scoped3A : memref<!tpu.dma_semaphore, #tpu.memory_space<semaphore_mem>>)
      %dma_wait3A = arith.constant 0 : i32
      %dma_wait3A_29 = tpu.memref_slice %arg4[%add3A_23, %dma_wait3A] : memref<32x4096xi32, #tpu.memory_space<hbm>> -> memref<1x4096xi32, #tpu.memory_space<hbm>>
      %dma_wait3A_30 = tpu.memref_squeeze %dma_wait3A_29 : memref<1x4096xi32, #tpu.memory_space<hbm>> -> memref<4096xi32, #tpu.memory_space<hbm>>
      %dma_wait3A_31 = arith.constant 0 : i32
      %dma_wait3A_32 = tpu.memref_slice %arg4[%add3A_23, %dma_wait3A_31] : memref<32x4096xi32, #tpu.memory_space<hbm>> -> memref<1x4096xi32, #tpu.memory_space<hbm>>
      %dma_wait3A_33 = tpu.memref_squeeze %dma_wait3A_32 : memref<1x4096xi32, #tpu.memory_space<hbm>> -> memref<4096xi32, #tpu.memory_space<hbm>>
      tpu.wait_dma2 semaphore(%run_scoped3A : memref<!tpu.dma_semaphore, #tpu.memory_space<semaphore_mem>>) src(%arg6 : memref<4096xi32, #tpu.memory_space<vmem>>) dst(%dma_wait3A_33 : memref<4096xi32, #tpu.memory_space<hbm>>)
      tpu.yield
    }) : () -> ()
    return
  }
}

#map = affine_map<(d0, d1) -> (0)>
#map1 = affine_map<(d0, d1) -> (0, 0)>
module attributes {stable_mosaic.version = 14 : i64} {
  func.func @hist_kernel(%arg0: i32, %arg1: i32, %arg2: memref<16777216xf32, #tpu.memory_space<hbm>>, %arg3: memref<16xi32, #tpu.memory_space<hbm>>, %arg4: memref<32x4096xi32, #tpu.memory_space<hbm>>, %arg5: memref<65536xf32, #tpu.memory_space<vmem>>, %arg6: memref<4096xi32, #tpu.memory_space<vmem>>, %arg7: memref<16xi32, #tpu.memory_space<vmem>>) attributes {dimension_semantics = [#tpu.dimension_semantics<core_parallel>, #tpu.dimension_semantics<subcore_parallel>], iteration_bounds = array<i64: 2, 16>, scalar_prefetch = 0 : i64, scratch_operands = 3 : i64, tpu.core_type = #tpu.core_type<sc_vector_subcore>, window_params = [{transform_indices = #map}, {transform_indices = #map}, {transform_indices = #map1}]} {
    %mul3A = arith.constant 2 : i32
    %mul3A_0 = arith.muli %arg1, %mul3A : i32
    %add3A = arith.addi %mul3A_0, %arg0 : i32
    %mul3A_1 = arith.constant 524288 : i32
    %mul3A_2 = arith.muli %add3A, %mul3A_1 : i32
    %iota3A = tpu.iota {dimensions = array<i32: 0>} : vector<16xi32>
    %broadcast_in_dim3A = arith.constant 1 : i32
    %broadcast_in_dim3A_3 = vector.broadcast %broadcast_in_dim3A : i32 to vector<16xi32>
    %broadcast_in_dim3A_4 = arith.constant 0 : i32
    %broadcast_in_dim3A_5 = vector.broadcast %broadcast_in_dim3A_4 : i32 to vector<16xi32>
    %scan3A = arith.constant 0 : i32
    %scan3A_6 = arith.constant 0 : i32
    %scan3A_7 = arith.constant 256 : i32
    %scan3A_8 = arith.addi %scan3A_6, %scan3A_7 : i32
    %scan3A_9 = arith.constant 1 : i32
    %scan3A_10 = scf.for %scan3A_24 = %scan3A_6 to %scan3A_8 step %scan3A_9 iter_args(%scan3A_25 = %scan3A) -> (i32)  : i32 {
      %mul3A_26 = arith.constant 16 : i32
      %mul3A_27 = arith.muli %scan3A_24, %mul3A_26 : i32
      %swap3A = arith.index_cast %mul3A_27 : i32 to index
      %swap3A_28 = tpu.vector_load %arg6[%swap3A] {strides = array<i32>} : memref<4096xi32, #tpu.memory_space<vmem>>, vector<16xi32>,
      tpu.vector_store %arg6[%swap3A], %broadcast_in_dim3A_5 {strides = array<i32>} : memref<4096xi32, #tpu.memory_space<vmem>>, vector<16xi32>,
      %scan3A_29 = arith.constant 0 : i32
      scf.yield %scan3A_29 : i32
    }
    %scan3A_11 = arith.constant 256 : i32
    "tpu.region"() ({
      %run_scoped3A = tpu.sem_alloc : memref<!tpu.dma_semaphore, #tpu.memory_space<semaphore_mem>>
      tpu.enqueue_dma source(%arg3 : memref<16xi32, #tpu.memory_space<hbm>>) target(%arg7 : memref<16xi32, #tpu.memory_space<vmem>>) target_semaphore(%run_scoped3A : memref<!tpu.dma_semaphore, #tpu.memory_space<semaphore_mem>>)
      tpu.wait_dma2 semaphore(%run_scoped3A : memref<!tpu.dma_semaphore, #tpu.memory_space<semaphore_mem>>) src(%arg3 : memref<16xi32, #tpu.memory_space<hbm>>) dst(%arg7 : memref<16xi32, #tpu.memory_space<vmem>>)
      tpu.yield
    }) : () -> ()
    %get3A = arith.constant 0 : index
    %get3A_12 = tpu.vector_load %arg7[%get3A] {strides = array<i32>} : memref<16xi32, #tpu.memory_space<vmem>>, vector<16xi32>,
    %scan3A_13 = arith.constant 9.990000e-01 : f32
    %scan3A_14 = arith.constant 0 : i32
    %scan3A_15 = arith.constant 0 : i32
    %scan3A_16 = arith.constant 8 : i32
    %scan3A_17 = arith.addi %scan3A_15, %scan3A_16 : i32
    %scan3A_18 = arith.constant 1 : i32
    %scan3A_19 = scf.for %scan3A_24 = %scan3A_15 to %scan3A_17 step %scan3A_18 iter_args(%scan3A_25 = %scan3A_14) -> (i32)  : i32 {
      %mul3A_26 = arith.constant 65536 : i32
      %mul3A_27 = arith.muli %scan3A_24, %mul3A_26 : i32
      %add3A_28 = arith.addi %mul3A_2, %mul3A_27 : i32
      "tpu.region"() ({
        %run_scoped3A = tpu.sem_alloc : memref<!tpu.dma_semaphore, #tpu.memory_space<semaphore_mem>>
        %dma_start3A = tpu.memref_slice %arg2[%add3A_28] : memref<16777216xf32, #tpu.memory_space<hbm>> -> memref<65536xf32, #tpu.memory_space<hbm>>
        %dma_start3A_37 = tpu.memref_slice %arg2[%add3A_28] : memref<16777216xf32, #tpu.memory_space<hbm>> -> memref<65536xf32, #tpu.memory_space<hbm>>
        tpu.enqueue_dma source(%dma_start3A_37 : memref<65536xf32, #tpu.memory_space<hbm>>) target(%arg5 : memref<65536xf32, #tpu.memory_space<vmem>>) target_semaphore(%run_scoped3A : memref<!tpu.dma_semaphore, #tpu.memory_space<semaphore_mem>>)
        %dma_wait3A = tpu.memref_slice %arg2[%add3A_28] : memref<16777216xf32, #tpu.memory_space<hbm>> -> memref<65536xf32, #tpu.memory_space<hbm>>
        %dma_wait3A_38 = tpu.memref_slice %arg2[%add3A_28] : memref<16777216xf32, #tpu.memory_space<hbm>> -> memref<65536xf32, #tpu.memory_space<hbm>>
        tpu.wait_dma2 semaphore(%run_scoped3A : memref<!tpu.dma_semaphore, #tpu.memory_space<semaphore_mem>>) src(%dma_wait3A_38 : memref<65536xf32, #tpu.memory_space<hbm>>) dst(%arg5 : memref<65536xf32, #tpu.memory_space<vmem>>)
        tpu.yield
      }) : () -> ()
      %scan3A_29 = arith.constant 0 : i32
      %scan3A_30 = arith.constant 0 : i32
      %scan3A_31 = arith.constant 4096 : i32
      %scan3A_32 = arith.addi %scan3A_30, %scan3A_31 : i32
      %scan3A_33 = arith.constant 1 : i32
      %scan3A_34 = scf.for %scan3A_37 = %scan3A_30 to %scan3A_32 step %scan3A_33 iter_args(%scan3A_38 = %scan3A_29) -> (i32)  : i32 {
        %mul3A_39 = arith.constant 16 : i32
        %mul3A_40 = arith.muli %scan3A_37, %mul3A_39 : i32
        %get3A_41 = arith.index_cast %mul3A_40 : i32 to index
        %get3A_42 = tpu.vector_load %arg5[%get3A_41] {strides = array<i32>} : memref<65536xf32, #tpu.memory_space<vmem>>, vector<16xf32>,
        %get3A_43 = vector.shape_cast %get3A_42 : vector<16xf32> to vector<16xf32>
        %bitcast_convert_type3A = tpu.bitcast %get3A_43 : vector<16xf32> -> vector<16xi32>
        %ge3A = arith.constant -2147483648 : i32
        %ge3A_44 = vector.broadcast %ge3A : i32 to vector<16xi32>
        %ge3A_45 = arith.cmpi uge, %bitcast_convert_type3A, %ge3A_44 : vector<16xi32>
        %jit3A = arith.constant -1 : i32
        %jit3A_46 = arith.constant -2147483648 : i32
        %broadcast_in_dim3A_47 = vector.broadcast %jit3A : i32 to vector<16xi32>
        %broadcast_in_dim3A_48 = vector.broadcast %jit3A_46 : i32 to vector<16xi32>
        %select_n3A = arith.select %ge3A_45, %broadcast_in_dim3A_47, %broadcast_in_dim3A_48 : vector<16xi1>, vector<16xi32>
        %xor3A = arith.xori %bitcast_convert_type3A, %select_n3A : vector<16xi32>
        %lt3A = vector.broadcast %scan3A_13 : f32 to vector<16xf32>
        %lt3A_49 = arith.cmpf olt, %get3A_43, %lt3A : vector<16xf32>
        %shift_right_logical3A = arith.constant 24 : i32
        %shift_right_logical3A_50 = vector.broadcast %shift_right_logical3A : i32 to vector<16xi32>
        %shift_right_logical3A_51 = arith.shrui %xor3A, %shift_right_logical3A_50 : vector<16xi32>
        %and3A = arith.constant 255 : i32
        %and3A_52 = vector.broadcast %and3A : i32 to vector<16xi32>
        %and3A_53 = arith.andi %shift_right_logical3A_51, %and3A_52 : vector<16xi32>
        %mul3A_54 = arith.constant 16 : i32
        %mul3A_55 = vector.broadcast %mul3A_54 : i32 to vector<16xi32>
        %mul3A_56 = arith.muli %and3A_53, %mul3A_55 : vector<16xi32>
        %add3A_57 = arith.addi %mul3A_56, %iota3A : vector<16xi32>
        tpu.vector_store_idx %arg6[%add3A_57], %broadcast_in_dim3A_3 masked %lt3A_49 {add = true} : memref<4096xi32, #tpu.memory_space<vmem>>[vector<16xi32>], vector<16xi32>, vector<16xi1>
        %scan3A_58 = arith.constant 0 : i32
        scf.yield %scan3A_58 : i32
      }
      %scan3A_35 = arith.constant 4096 : i32
      %scan3A_36 = arith.constant 0 : i32
      scf.yield %scan3A_36 : i32
    }
    %scan3A_20 = arith.constant 8 : i32
    %mul3A_21 = arith.constant 2 : i32
    %mul3A_22 = arith.muli %arg1, %mul3A_21 : i32
    %add3A_23 = arith.addi %mul3A_22, %arg0 : i32
    "tpu.region"() ({
      %run_scoped3A = tpu.sem_alloc : memref<!tpu.dma_semaphore, #tpu.memory_space<semaphore_mem>>
      %dma_start3A = arith.constant 0 : i32
      %dma_start3A_24 = tpu.memref_slice %arg4[%add3A_23, %dma_start3A] : memref<32x4096xi32, #tpu.memory_space<hbm>> -> memref<1x4096xi32, #tpu.memory_space<hbm>>
      %dma_start3A_25 = tpu.memref_squeeze %dma_start3A_24 : memref<1x4096xi32, #tpu.memory_space<hbm>> -> memref<4096xi32, #tpu.memory_space<hbm>>
      %dma_start3A_26 = arith.constant 0 : i32
      %dma_start3A_27 = tpu.memref_slice %arg4[%add3A_23, %dma_start3A_26] : memref<32x4096xi32, #tpu.memory_space<hbm>> -> memref<1x4096xi32, #tpu.memory_space<hbm>>
      %dma_start3A_28 = tpu.memref_squeeze %dma_start3A_27 : memref<1x4096xi32, #tpu.memory_space<hbm>> -> memref<4096xi32, #tpu.memory_space<hbm>>
      tpu.enqueue_dma source(%arg6 : memref<4096xi32, #tpu.memory_space<vmem>>) target(%dma_start3A_28 : memref<4096xi32, #tpu.memory_space<hbm>>) target_semaphore(%run_scoped3A : memref<!tpu.dma_semaphore, #tpu.memory_space<semaphore_mem>>)
      %dma_wait3A = arith.constant 0 : i32
      %dma_wait3A_29 = tpu.memref_slice %arg4[%add3A_23, %dma_wait3A] : memref<32x4096xi32, #tpu.memory_space<hbm>> -> memref<1x4096xi32, #tpu.memory_space<hbm>>
      %dma_wait3A_30 = tpu.memref_squeeze %dma_wait3A_29 : memref<1x4096xi32, #tpu.memory_space<hbm>> -> memref<4096xi32, #tpu.memory_space<hbm>>
      %dma_wait3A_31 = arith.constant 0 : i32
      %dma_wait3A_32 = tpu.memref_slice %arg4[%add3A_23, %dma_wait3A_31] : memref<32x4096xi32, #tpu.memory_space<hbm>> -> memref<1x4096xi32, #tpu.memory_space<hbm>>
      %dma_wait3A_33 = tpu.memref_squeeze %dma_wait3A_32 : memref<1x4096xi32, #tpu.memory_space<hbm>> -> memref<4096xi32, #tpu.memory_space<hbm>>
      tpu.wait_dma2 semaphore(%run_scoped3A : memref<!tpu.dma_semaphore, #tpu.memory_space<semaphore_mem>>) src(%arg6 : memref<4096xi32, #tpu.memory_space<vmem>>) dst(%dma_wait3A_33 : memref<4096xi32, #tpu.memory_space<hbm>>)
      tpu.yield
    }) : () -> ()
    return
  }
}

#map = affine_map<(d0, d1) -> (0)>
#map1 = affine_map<(d0, d1) -> (0, 0)>
module attributes {stable_mosaic.version = 14 : i64} {
  func.func @_clamp_count(%arg0: i32, %arg1: i32, %arg2: memref<16777216xf32, #tpu.memory_space<hbm>>, %arg3: memref<16777216xf32, #tpu.memory_space<hbm>>, %arg4: memref<32x16xi32, #tpu.memory_space<hbm>>, %arg5: memref<65536xf32, #tpu.memory_space<vmem>>, %arg6: memref<16xi32, #tpu.memory_space<vmem>>) attributes {dimension_semantics = [#tpu.dimension_semantics<core_parallel>, #tpu.dimension_semantics<subcore_parallel>], iteration_bounds = array<i64: 2, 16>, scalar_prefetch = 0 : i64, scratch_operands = 2 : i64, tpu.core_type = #tpu.core_type<sc_vector_subcore>, window_params = [{transform_indices = #map}, {transform_indices = #map}, {transform_indices = #map1}]} {
    %mul3A = arith.constant 2 : i32
    %mul3A_0 = arith.muli %arg1, %mul3A : i32
    %add3A = arith.addi %mul3A_0, %arg0 : i32
    %mul3A_1 = arith.constant 524288 : i32
    %mul3A_2 = arith.muli %add3A, %mul3A_1 : i32
    %broadcast_in_dim3A = arith.constant 0 : i32
    %broadcast_in_dim3A_3 = vector.broadcast %broadcast_in_dim3A : i32 to vector<16xi32>
    %scan3A = arith.constant 9.990000e-01 : f32
    %scan3A_4 = arith.constant 0 : i32
    %scan3A_5 = arith.constant 8 : i32
    %scan3A_6 = arith.addi %scan3A_4, %scan3A_5 : i32
    %scan3A_7 = arith.constant 1 : i32
    %scan3A_8 = scf.for %scan3A_16 = %scan3A_4 to %scan3A_6 step %scan3A_7 iter_args(%scan3A_17 = %broadcast_in_dim3A_3) -> (vector<16xi32>)  : i32 {
      %mul3A_18 = arith.constant 65536 : i32
      %mul3A_19 = arith.muli %scan3A_16, %mul3A_18 : i32
      %add3A_20 = arith.addi %mul3A_2, %mul3A_19 : i32
      "tpu.region"() ({
        %run_scoped3A = tpu.sem_alloc : memref<!tpu.dma_semaphore, #tpu.memory_space<semaphore_mem>>
        %dma_start3A = tpu.memref_slice %arg2[%add3A_20] : memref<16777216xf32, #tpu.memory_space<hbm>> -> memref<65536xf32, #tpu.memory_space<hbm>>
        %dma_start3A_27 = tpu.memref_slice %arg2[%add3A_20] : memref<16777216xf32, #tpu.memory_space<hbm>> -> memref<65536xf32, #tpu.memory_space<hbm>>
        tpu.enqueue_dma source(%dma_start3A_27 : memref<65536xf32, #tpu.memory_space<hbm>>) target(%arg5 : memref<65536xf32, #tpu.memory_space<vmem>>) target_semaphore(%run_scoped3A : memref<!tpu.dma_semaphore, #tpu.memory_space<semaphore_mem>>)
        %dma_wait3A = tpu.memref_slice %arg2[%add3A_20] : memref<16777216xf32, #tpu.memory_space<hbm>> -> memref<65536xf32, #tpu.memory_space<hbm>>
        %dma_wait3A_28 = tpu.memref_slice %arg2[%add3A_20] : memref<16777216xf32, #tpu.memory_space<hbm>> -> memref<65536xf32, #tpu.memory_space<hbm>>
        tpu.wait_dma2 semaphore(%run_scoped3A : memref<!tpu.dma_semaphore, #tpu.memory_space<semaphore_mem>>) src(%dma_wait3A_28 : memref<65536xf32, #tpu.memory_space<hbm>>) dst(%arg5 : memref<65536xf32, #tpu.memory_space<vmem>>)
        tpu.yield
      }) : () -> ()
      %scan3A_21 = arith.constant 0 : i32
      %scan3A_22 = arith.constant 4096 : i32
      %scan3A_23 = arith.addi %scan3A_21, %scan3A_22 : i32
      %scan3A_24 = arith.constant 1 : i32
      %scan3A_25 = scf.for %scan3A_27 = %scan3A_21 to %scan3A_23 step %scan3A_24 iter_args(%scan3A_28 = %scan3A_17) -> (vector<16xi32>)  : i32 {
        %mul3A_29 = arith.constant 16 : i32
        %mul3A_30 = arith.muli %scan3A_27, %mul3A_29 : i32
        %get3A = arith.index_cast %mul3A_30 : i32 to index
        %get3A_31 = tpu.vector_load %arg5[%get3A] {strides = array<i32>} : memref<65536xf32, #tpu.memory_space<vmem>>, vector<16xf32>,
        %get3A_32 = vector.shape_cast %get3A_31 : vector<16xf32> to vector<16xf32>
        %lt3A = vector.broadcast %scan3A : f32 to vector<16xf32>
        %lt3A_33 = arith.cmpf olt, %get3A_32, %lt3A : vector<16xf32>
        %broadcast_in_dim3A_34 = vector.broadcast %scan3A : f32 to vector<16xf32>
        %select_n3A = arith.select %lt3A_33, %get3A_32, %broadcast_in_dim3A_34 : vector<16xi1>, vector<16xf32>
        %mul3A_35 = arith.constant 16 : i32
        %mul3A_36 = arith.muli %scan3A_27, %mul3A_35 : i32
        %swap3A_37 = arith.index_cast %mul3A_36 : i32 to index
        %swap3A_38 = tpu.vector_load %arg5[%swap3A_37] {strides = array<i32>} : memref<65536xf32, #tpu.memory_space<vmem>>, vector<16xf32>,
        %swap3A_39 = vector.shape_cast %swap3A_38 : vector<16xf32> to vector<16xf32>
        %swap3A_40 = vector.shape_cast %select_n3A : vector<16xf32> to vector<16xf32>
        tpu.vector_store %arg5[%swap3A_37], %swap3A_40 {strides = array<i32>} : memref<65536xf32, #tpu.memory_space<vmem>>, vector<16xf32>,
        %jit3A = arith.constant 0 : i32
        %jit3A_41 = arith.constant 1 : i32
        %broadcast_in_dim3A_42 = vector.broadcast %jit3A : i32 to vector<16xi32>
        %broadcast_in_dim3A_43 = vector.broadcast %jit3A_41 : i32 to vector<16xi32>
        %select_n3A_44 = arith.select %lt3A_33, %broadcast_in_dim3A_42, %broadcast_in_dim3A_43 : vector<16xi1>, vector<16xi32>
        %add3A_45 = arith.addi %scan3A_28, %select_n3A_44 : vector<16xi32>
        scf.yield %add3A_45 : vector<16xi32>
      }
      %scan3A_26 = arith.constant 4096 : i32
      "tpu.region"() ({
        %run_scoped3A = tpu.sem_alloc : memref<!tpu.dma_semaphore, #tpu.memory_space<semaphore_mem>>
        %dma_start3A = tpu.memref_slice %arg3[%add3A_20] : memref<16777216xf32, #tpu.memory_space<hbm>> -> memref<65536xf32, #tpu.memory_space<hbm>>
        %dma_start3A_27 = tpu.memref_slice %arg3[%add3A_20] : memref<16777216xf32, #tpu.memory_space<hbm>> -> memref<65536xf32, #tpu.memory_space<hbm>>
        tpu.enqueue_dma source(%arg5 : memref<65536xf32, #tpu.memory_space<vmem>>) target(%dma_start3A_27 : memref<65536xf32, #tpu.memory_space<hbm>>) target_semaphore(%run_scoped3A : memref<!tpu.dma_semaphore, #tpu.memory_space<semaphore_mem>>)
        %dma_wait3A = tpu.memref_slice %arg3[%add3A_20] : memref<16777216xf32, #tpu.memory_space<hbm>> -> memref<65536xf32, #tpu.memory_space<hbm>>
        %dma_wait3A_28 = tpu.memref_slice %arg3[%add3A_20] : memref<16777216xf32, #tpu.memory_space<hbm>> -> memref<65536xf32, #tpu.memory_space<hbm>>
        tpu.wait_dma2 semaphore(%run_scoped3A : memref<!tpu.dma_semaphore, #tpu.memory_space<semaphore_mem>>) src(%arg5 : memref<65536xf32, #tpu.memory_space<vmem>>) dst(%dma_wait3A_28 : memref<65536xf32, #tpu.memory_space<hbm>>)
        tpu.yield
      }) : () -> ()
      scf.yield %scan3A_25 : vector<16xi32>
    }
    %scan3A_9 = arith.constant 8 : i32
    %swap3A = arith.constant 0 : index
    %swap3A_10 = tpu.vector_load %arg6[%swap3A] {strides = array<i32>} : memref<16xi32, #tpu.memory_space<vmem>>, vector<16xi32>,
    %swap3A_11 = vector.shape_cast %swap3A_10 : vector<16xi32> to vector<16xi32>
    %swap3A_12 = vector.shape_cast %scan3A_8 : vector<16xi32> to vector<16xi32>
    tpu.vector_store %arg6[%swap3A], %swap3A_12 {strides = array<i32>} : memref<16xi32, #tpu.memory_space<vmem>>, vector<16xi32>,
    %mul3A_13 = arith.constant 2 : i32
    %mul3A_14 = arith.muli %arg1, %mul3A_13 : i32
    %add3A_15 = arith.addi %mul3A_14, %arg0 : i32
    "tpu.region"() ({
      %run_scoped3A = tpu.sem_alloc : memref<!tpu.dma_semaphore, #tpu.memory_space<semaphore_mem>>
      %dma_start3A = arith.constant 0 : i32
      %dma_start3A_16 = tpu.memref_slice %arg4[%add3A_15, %dma_start3A] : memref<32x16xi32, #tpu.memory_space<hbm>> -> memref<1x16xi32, #tpu.memory_space<hbm>>
      %dma_start3A_17 = tpu.memref_squeeze %dma_start3A_16 : memref<1x16xi32, #tpu.memory_space<hbm>> -> memref<16xi32, #tpu.memory_space<hbm>>
      %dma_start3A_18 = arith.constant 0 : i32
      %dma_start3A_19 = tpu.memref_slice %arg4[%add3A_15, %dma_start3A_18] : memref<32x16xi32, #tpu.memory_space<hbm>> -> memref<1x16xi32, #tpu.memory_space<hbm>>
      %dma_start3A_20 = tpu.memref_squeeze %dma_start3A_19 : memref<1x16xi32, #tpu.memory_space<hbm>> -> memref<16xi32, #tpu.memory_space<hbm>>
      tpu.enqueue_dma source(%arg6 : memref<16xi32, #tpu.memory_space<vmem>>) target(%dma_start3A_20 : memref<16xi32, #tpu.memory_space<hbm>>) target_semaphore(%run_scoped3A : memref<!tpu.dma_semaphore, #tpu.memory_space<semaphore_mem>>)
      %dma_wait3A = arith.constant 0 : i32
      %dma_wait3A_21 = tpu.memref_slice %arg4[%add3A_15, %dma_wait3A] : memref<32x16xi32, #tpu.memory_space<hbm>> -> memref<1x16xi32, #tpu.memory_space<hbm>>
      %dma_wait3A_22 = tpu.memref_squeeze %dma_wait3A_21 : memref<1x16xi32, #tpu.memory_space<hbm>> -> memref<16xi32, #tpu.memory_space<hbm>>
      %dma_wait3A_23 = arith.constant 0 : i32
      %dma_wait3A_24 = tpu.memref_slice %arg4[%add3A_15, %dma_wait3A_23] : memref<32x16xi32, #tpu.memory_space<hbm>> -> memref<1x16xi32, #tpu.memory_space<hbm>>
      %dma_wait3A_25 = tpu.memref_squeeze %dma_wait3A_24 : memref<1x16xi32, #tpu.memory_space<hbm>> -> memref<16xi32, #tpu.memory_space<hbm>>
      tpu.wait_dma2 semaphore(%run_scoped3A : memref<!tpu.dma_semaphore, #tpu.memory_space<semaphore_mem>>) src(%arg6 : memref<16xi32, #tpu.memory_space<vmem>>) dst(%dma_wait3A_25 : memref<16xi32, #tpu.memory_space<hbm>>)
      tpu.yield
    }) : () -> ()
    return
  }
}

</mosaic_0001>

<sc_bundles>
// kernel: branch_0_fun.11.cloned.1.call-start
scs
__scs_entry_jumppad:
0x0: {  	(pc) =	sbr.rel $0x88, $3  }
0x1: {  	(tag) =	ssettag $0x0;
	lr =	simm.s32 $0x1  }
0x2: {  	[smem:$0x3F9F] =	sst lr;
	_ =	strace $0xD0000000  }
0x3: {  	_ = 	snop  }
0x4: {  	_ = 	snop  }
0x5: {  	_ = 	snop  }
0x6: {  	_ = 	snop  }
0x7: {  	_ = 	snop  }
__scs_overlays_trampoline_lowered:
0x8: {  	[smem:$0x3FAE] =	sst s0  }
0x9: {  	[smem:$0x3FAF] =	sst s1  }
0xa: {  	[smem:$0x3FB0] =	sst s2  }
0xb: {  	[smem:$0x3FB1] =	sst s3  }
0xc: {  	[smem:$0x3FB2] =	sst s4  }
0xd: {  	[smem:$0x3FB3] =	sst s5  }
0xe: {  	[smem:$0x3FB4] =	sst s6  }
0xf: {  	[smem:$0x3FB5] =	sst s7  }
0x10: {  	[smem:$0x3FB6] =	sst s8  }
0x11: {  	[smem:$0x3FB7] =	sst s9;
	s0 =	simm.s32 @!p0 $0x0  }
0x12: {  	s1 =	sld [smem:$0x3F9D];
	s0 =	simm.s32 @p0 $0x1  }
0x13: {  	[smem:$0x3FB8] =	sst s0;
	s0 =	simm.s32 @!p1 $0x0  }
0x14: {  	s2 =	sld [smem:$0x3F9C];
	s0 =	simm.s32 @p1 $0x1  }
0x15: {  	[smem:$0x3FB9] =	sst s0;
	s0 =	simm.s32 @!p2 $0x0  }
0x16: {  	s3 =	sld [smem:$0x3FDB];
	s0 =	simm.s32 @p2 $0x1  }
0x17: {  	s4 =	simm.s32 $0x1BF5;
	[smem:$0x3FBB] =	sst s0  }
0x18: {  	s0 =	sld [smem:$0x3F9E];
	_ =	swait.ge [sflag:s4], $0x0  }
0x19: {  	s7 =	sld [smem:$0x3F9F]  }
0x1a: {  	s8 =	sadd.s32 $0xFFFFE003, lr  }
0x1b: {  	s9 =	sadd.s32 $0xFFFFFEF7, lr;
	s5 =	simm.s32 $0xFFFFFFFF;
	p2 =	slt.u32 s8, $0xFFFFF086  }
0x1c: {  	p1 =	slt.u32 s9, $0xF7A;
	s5 =	simm.s32 @!p2 $0x0  }
0x1d: {  	s5 =	simm.s32 @p1 $0x1;
	p0 =	seq.s32 s7, s2  }
0x1e: {  	s7 =	smul.u32 @!p0 $0xF7A, s2;
	p2 =	seq.s32 @!p0 s5, $0x0  }
0x1f: {  	s9 =	smul.u32 $0xF7A, s1;
	s8 =	simm.s32 @!p0 $0x1BF5;
	p2 =	por !p2, p0  }
0x20: {  	[sflag:s8] =	ssyncset.s32 @!p0 $0xFFFFF086;
	s6 =	sadd.s32 @!p0 s3, s7;
	s7 =	simm.s32 @!p0 $0x108  }
0x21: {  	s3 =	sadd.s32 s3, s9;
	s6 =	sadd.s32 @!p0 $0x88, s6;
	s7 =	simm.s32 @p2 $0x1082  }
0x22: {  	[simem:s7], [sflag:s8] =	dma.local @!p0 [hbm:s6], $0xF7A  }
0x23: {  	s9 =	sor.u32 $0xD0000000, s2;
	s6 =	simm.s32 $0x108;
	_ =	swait.ge @!p0 [sflag:s8], $0x0  }
0x24: {  	s3 =	sadd.s32 $0x88, s3;
	s6 =	simm.s32 @!p1 $0x1082;
	[sflag:s4] =	ssyncset.s32 $0xFFFFF086  }
0x25: {  	[simem:s6], [sflag:s4] =	dma.local [hbm:s3], $0xF7A  }
0x26: {  	[smem:$0x3F9F] =	sst s1;
	(tag) =	ssettag s2;
	_ =	strace s9  }
0x27: {  	s1 =	sld [smem:$0x3FAF]  }
0x28: {  	s2 =	sld [smem:$0x3FB0]  }
0x29: {  	s4 =	sld [smem:$0x3FB2]  }
0x2a: {  	p0 =	seq.s32 s5, $0x0;
	s5 =	sld [smem:$0x3FB3]  }
0x2b: {  	s6 =	sld [smem:$0x3FB4]  }
0x2c: {  	s7 =	sld [smem:$0x3FB5]  }
0x2d: {  	s3 =	simm.s32 $0x108;
	s8 =	sld [smem:$0x3FB6]  }
0x2e: {  	s3 =	simm.s32 @!p0 $0x1082;
	s9 =	sld [smem:$0x3FB7]  }
0x2f: {  	lr =	sadd.s32 s0, s3;
	s0 =	sld [smem:$0x3FAE]  }
0x30: {  	s3 =	sld [smem:$0x3FB1]  }
0x31: {  	[smem:$0x3FBA] =	sst s10  }
0x32: {  	s10 =	sld [smem:$0x3FB8];
	_ =	sdelay $0x3  }
0x33: {  	p0 =	seq.s32 s10, $0x1;
	s10 =	sld [smem:$0x3FBA];
	_ =	sdelay $0x3  }
0x34: {  	[smem:$0x3FBA] =	sst s10  }
0x35: {  	s10 =	sld [smem:$0x3FB9];
	_ =	sdelay $0x3  }
0x36: {  	p1 =	seq.s32 s10, $0x1;
	s10 =	sld [smem:$0x3FBA];
	_ =	sdelay $0x3  }
0x37: {  	[smem:$0x3FBA] =	sst s10  }
0x38: {  	s10 =	sld [smem:$0x3FBB]  }
0x39: {  	_ = 	snop;
	(pc) =	sbr.ind lr, $3  }
0x3a: {  	_ = 	snop  }
0x3b: {  	_ = 	snop  }
0x3c: {  	p2 =	seq.s32 s10, $0x1;
	s10 =	sld [smem:$0x3FBA]  }
0x3d: {  	_ =	shalt  }
0x3e: {  	_ =	shalt  }
0x3f: {  	_ =	shalt  }
0x40: {  	_ =	shalt  }
0x41: {  	_ =	shalt  }
0x42: {  	_ =	shalt  }
0x43: {  	_ =	shalt  }
0x44: {  	_ =	shalt  }
0x45: {  	_ =	shalt  }
0x46: {  	_ =	shalt  }
0x47: {  	_ =	shalt  }
0x48: {  	_ =	shalt  }
0x49: {  	_ =	shalt  }
0x4a: {  	_ =	shalt  }
0x4b: {  	_ =	shalt  }
0x4c: {  	_ =	shalt  }
0x4d: {  	_ =	shalt  }
0x4e: {  	_ =	shalt  }
0x4f: {  	_ =	shalt  }
0x50: {  	_ =	shalt  }
0x51: {  	_ =	shalt  }
0x52: {  	_ =	shalt  }
0x53: {  	_ =	shalt  }
0x54: {  	_ =	shalt  }
0x55: {  	_ =	shalt  }
0x56: {  	_ =	shalt  }
0x57: {  	_ =	shalt  }
0x58: {  	_ =	shalt  }
0x59: {  	_ =	shalt  }
0x5a: {  	_ =	shalt  }
0x5b: {  	_ =	shalt  }
0x5c: {  	_ =	shalt  }
0x5d: {  	_ =	shalt  }
0x5e: {  	_ =	shalt  }
0x5f: {  	_ =	shalt  }
0x60: {  	_ =	shalt  }
0x61: {  	_ =	shalt  }
0x62: {  	_ =	shalt  }
0x63: {  	_ =	shalt  }
0x64: {  	_ =	shalt  }
0x65: {  	_ =	shalt  }
0x66: {  	_ =	shalt  }
0x67: {  	_ =	shalt  }
0x68: {  	_ =	shalt  }
0x69: {  	_ =	shalt  }
0x6a: {  	_ =	shalt  }
0x6b: {  	_ =	shalt  }
0x6c: {  	_ =	shalt  }
0x6d: {  	_ =	shalt  }
0x6e: {  	_ =	shalt  }
0x6f: {  	_ =	shalt  }
0x70: {  	_ =	shalt  }
0x71: {  	_ =	shalt  }
0x72: {  	_ =	shalt  }
0x73: {  	_ =	shalt  }
0x74: {  	_ =	shalt  }
0x75: {  	_ =	shalt  }
0x76: {  	_ =	shalt  }
0x77: {  	_ =	shalt  }
0x78: {  	_ =	shalt  }
0x79: {  	_ =	shalt  }
0x7a: {  	_ =	shalt  }
0x7b: {  	_ =	shalt  }
0x7c: {  	_ =	shalt  }
0x7d: {  	_ =	shalt  }
0x7e: {  	_ =	shalt  }
0x7f: {  	_ =	shalt  }
0x80: {  	_ =	shalt  }
0x81: {  	_ =	shalt  }
0x82: {  	_ =	shalt  }
0x83: {  	_ =	shalt  }
0x84: {  	_ =	shalt  }
0x85: {  	_ =	shalt  }
0x86: {  	_ =	shalt  }
0x87: {  	_ =	shalt  }
.Lfunc_end0:
.L_simem_size_0:
called_computation.1_lowered:
.L_overlay_start_0:
0x88: {  	s2 =	sld [smem:$0x3FD9]  }
0x89: {  	s3 =	sld [smem:$0x3FFE];
	_ =	sdelay $0x1  }
0x8a: {  	s1 =	srdreg.scid  }
0x8b: {  	s0 =	sand.u32 $0x1, s1  }
0x8c: {  	s16 =	sshll.u32 s0, $0xA;
	s2 =	sadd.s32 s3, s2  }
0x8d: {  	s2 =	sadd.s32 s2, s16  }
0x8e: {  	[smem:$0x3FC6] =	sst s2  }
0x8f: {  	_ = 	snop  }
0x90: {  	(tm) =	ssettm $0x1  }
0x91: {  	s17 =	sld [smem:$0x3FFB];
	_ =	sdelay $0x3  }
0x92: {  	_ =	strace s17  }
0x93: {  	s2 =	sld [smem:$0x3FFC];
	_ =	sdelay $0x3  }
0x94: {  	_ =	strace s2  }
0x95: {  	s2 =	sld [smem:$0x3FFD];
	_ =	sdelay $0x3  }
0x96: {  	_ =	strace s2  }
0x97: {  	_ =	strace $0x8FFFFFFF  }
0x98: {  	s18 =	sld [smem:$0x3FDB];
	_ =	sdelay $0x1  }
0x99: {  	s19 =	simm.s32 $_scs_section_size  }
0x9a: {  	s4 =	simm.s32 $_size__tile_overlayer_lowered;
	s5 =	simm.s32 $_tile_overlayer_lowered  }
0x9b: {  	s22 =	simm.s32 $0x1BFF;
	s21 =	sshll.u32 s5, $0x1;
	s2 =	sadd.s32 s19, s18  }
0x9c: {  	s6 =	simm.s32 $0x0;
	s20 =	sshll.u32 s4, $0x1;
	s4 =	sadd.s32 s21, s2  }
0x9d: {  	[timem:s6], [sflag:s22] =	dma.local [hbm:s4], s20  }
0x9e: {  	_ =	swait.ge [sflag:s22], s20  }
0x9f: {  	s3 =	ssub.s32 $0x0, s20;
	[sflag:s22] =	ssyncset.done $0x0  }
0xa0: {  	[sflag:s22] =	ssyncadd.s32 s3;
	_ =	sdelay $0x1  }
0xa1: {  	s23 =	simm.s32 $0x1B8B  }
0xa2: {  	_ =	swait.ge [sflag:s23], $0x1  }
0xa3: {  	[sflag:s23] =	ssyncset.done $0x0  }
0xa4: {  	s25 =	simm.s32 $0x1B8E;
	s24 =	sld [smem:$0x3FFE];
	[sflag:s23] =	ssyncadd.s32 $0xFFFFFFFF  }
0xa5: {  	s26 =	simm.s32 $execute0_lowered;
	[smem:$0x3FD2] =	sst s25  }
0xa6: {  	s4 =	sshll.u32 s26, $0x1;
	_ =	strace $0x80000046;
	[dreg:$0x1] =	wrdreg $0xFFFFFFFF  }
0xa7: {  	s28 =	simm.s32 $_size_execute0_lowered;
	s2 =	sadd.s32 s2, s4;
	[dreg:$0x0] =	wrdreg $0x0  }
0xa8: {  	s4 =	sshll.u32 s28, $0x1;
	[dreg:$0x2] =	wrdreg s2  }
0xa9: {  	[dreg:$0x3] =	wrdreg s4  }
0xaa: {  	[dreg:$0x4] =	wrdreg $0xC0  }
0xab: {  	_ =	task [dreg:s6], $0x5FFFF  }
0xac: {  	[dreg:$0x1] =	wrdreg $0xFFFFFFFF  }
0xad: {  	[dreg:$0x0] =	wrdreg $0x60  }
0xae: {  	[dreg:$0x2] =	wrdreg s24  }
0xaf: {  	[dreg:$0x3] =	wrdreg $0x9  }
0xb0: {  	_ =	task.clear_ibuf [dreg:s6], $0x4FFFF;
	_ =	strace $0x90000046  }
0xb1: {  	s29 =	simm.s32 $0x9;
	_ =	strace $0x80000048  }
0xb2: {  	_ =	swait.ge [sflag:s29], $0x1  }
0xb3: {  	[sflag:s29] =	ssyncadd.s32 $0xFFFFFFFF  }
0xb4: {  	_ =	strace $0x90000048  }
0xb5: {  	_ =	sfence  }
0xb6: {  	s30 =	sld [smem:$0x0];
	_ =	sdelay $0x2  }
0xb7: {  	s31 =	sshll.u32 s1, $0xD;
	s1 =	sshrl.u32 s1, $0x2  }
0xb8: {  	s3 =	sand.u32 $0x4000, s31;
	s1 =	sadd.s32 s1, s30  }
0xb9: {  	s0 =	sor.u32 s3, s0;
	s1 =	sshll.u32 s1, $0x11  }
0xba: {  	s0 =	sor.u32 s1, s0  }
0xbb: {  	s0 =	sadd.s32 $0x8F2B, s0  }
0xbc: {  	[sflag:s0] =	ssyncadd.remote.s32 $0x1  }
0xbd: {  	_ =	sfence.sel $0xFFFF  }
0xbe: {  	[dreg:$0x0] =	wrdreg $0xFFFFFFFF;
	(pc) =	sbr.abs _section_cstart, $3  }
0xbf: {  	[dreg:$0x1] =	wrdreg $0xFFFFFFFF  }
0xc0: {  	_ =	task.clear_ibuf [dreg:s6], $0x2FFFF;
	_ =	strace $0x9FFFFFFF  }
0xc1: {  	(tm) =	ssettm $0x7FFFFFFF  }
tec
execute0_lowered:
.L_overlay_start_1:
0x0: {  	(tag) =	ssettag $0x1  }
0x1: {  	s4 =	rddreg [dreg:$0x0]  }
0x2: {  	s0 =	rddreg [dreg:$0x1]  }
0x3: {  	s2 =	simm.s32 $0x0;
	s1 =	stileid.u32;
	s3 =	srdreg.scid  }
0x4: {  	s10 =	simm.s32 $0x80;
	s11 =	simm.s32 $0x400;
	[smem:$0x7FF] =	sst s2  }
0x5: {  	s5 =	sand.u32 $0x1, s3;
	s30 =	sshll.u32 s1, $0x1;
	s6 =	sshll.u32 s1, $0xA  }
0x6: {  	s3 =	sadd.s32 $0x200000, s4;
	_ =	strace $0x80000047;
	s7 =	sor.u32 s5, s30  }
0x7: {  	s6 =	sand.u32 $0x3000, s6;
	s5 =	ssub.s32 $0x2, s5;
	s8 =	sshll.u32 s7, $0x4  }
0x8: {  	s6 =	sadd.s32 s6, s4;
	s9 =	sshrl.u32 s5, $0x1;
	s7 =	sshll.u32 s7, $0x10  }
0x9: {  	s8 =	sand.u32 $0x70, s8;
	s31 =	ssub.s32 s5, s9;
	s4 =	sadd.s32 s4, s7  }
0xa: {  	s7 =	simm.s32 $0x11000;
	s9 =	simm.s32 $0x10000;
	s6 =	sadd.s32 s8, s6  }
0xb: {  	v0 =	vimm.s32 $0x0;
	v1 =	vlaneseq.u32;
	v2 =	vimm.s32 $0x1;
	s8 =	simm.s32 $0x1;
	s5 =	sadd.s32 $0x200200, s6;
	s6 =	smax.u32 s31, $0x1  }
.LBB2_1:
0xc: {  	s12 =	simm.s32 $0x40;
	s13 =	simm.s32 $0x0  }
.LBB2_2:
0xd: {  	p0 =	sne.s32 s12, $0x3FC0;
	[tilespmem:s13+$0x10000] =	vst v0;
	s13 =	smov.u32 s12;
	s12 =	sadd.s32 $0x40, s12  }
.Ltmp0:
0xe: {  	(pc) =	sbr.rel @p0 .LBB2_2-.Ltmp0, $2  }
0xf: {  	_ =	sdelay $0x2  }
0x10: {  	s13 =	sshra.s32 s13, $0x2  }
0x11: {  	[tilespmem:s13+$0x10000] =	vst v0;
	s12 =	simm.s32 $0x0  }
0x12: {  	[tilespmem:s7], [sflag:$0x1] =	stream.linear.gather [hbm4b:s3+s12], $0x80, $0x38;
	[tilespmem:$0x11080] =	vst v63  }
0x13: {  	_ =	swait.ge [sflag:s8], $0x80  }
0x14: {  	[sflag:s8] =	ssyncset.done $0x0  }
0x15: {  	s13 =	simm.s32 $0x0;
	[sflag:s8] =	ssyncadd.s32 $0xFFFFFF80  }
.LBB2_4:
0x16: {  	s14 =	sshll.u32 s13, $0xD  }
0x17: {  	s14 =	sadd.s32 s14, s4  }
0x18: {  	[tilespmem:s12], [sflag:$0x1] =	stream.linear.gather [hbm4b:s14+s12], $0x10000, $0x38;
	[tilespmem:$0x11080] =	vst v63  }
0x19: {  	_ =	swait.ge [sflag:s8], $0x10000  }
0x1a: {  	[sflag:s8] =	ssyncset.done $0x0  }
0x1b: {  	s15 =	simm.s32 $0x0;
	s14 =	simm.s32 $0x40;
	[sflag:s8] =	ssyncadd.s32 $0xFFFF0000  }
.LBB2_5:
0x1c: {  	p0 =	sne.s32 s14, $0x3FFC0;
	v3 =	vld [tilespmem:s15+$0x0];
	_ =	sdelay $0x4  }
0x1d: {  	v4 =	vshra.s32 v3, $0x1F  }
0x1e: {  	v4 =	vor.u32 $0x80000000, v4  }
0x1f: {  	v4 =	vxor.u32 v3, v4  }
0x20: {  	v4 =	vshrl.u32 v4, $0x14  }
0x21: {  	vm0 =	vlt.f32 v3, $9.990000120e-01;
	v3 =	vand.u32 $0xFF0, v4  }
0x22: {  	v3 =	vor.u32 v1, v3  }
.Ltmp1:
0x23: {  	(pc) =	sbr.rel @p0 .LBB2_5-.Ltmp1, $2  }
0x24: {  	_ =	sdelay $0x2  }
0x25: {  	s15 =	sshra.s32 s14, $0x2;
	s14 =	sadd.s32 $0x40, s14;
	[tilespmem:v3+s9+$0x0] =	vst.idx.add.s32.msk vm0, v2  }
0x26: {  	v3 =	vld [tilespmem:s15+$0x0];
	_ =	sdelay $0x4  }
0x27: {  	v4 =	vshra.s32 v3, $0x1F  }
0x28: {  	v4 =	vor.u32 $0x80000000, v4  }
0x29: {  	v4 =	vxor.u32 v3, v4  }
0x2a: {  	v4 =	vshrl.u32 v4, $0x14  }
0x2b: {  	s13 =	sadd.s32 $0x1, s13;
	vm0 =	vlt.f32 v3, $9.990000120e-01;
	v3 =	vand.u32 $0xFF0, v4  }
0x2c: {  	p0 =	sne.s32 s13, $0x8;
	v3 =	vor.u32 v1, v3  }
.Ltmp2:
0x2d: {  	_ = 	snop;
	(pc) =	sbr.rel @p0 .LBB2_4-.Ltmp2, $2  }
0x2e: {  	_ =	sdelay $0x2  }
0x2f: {  	[tilespmem:v3+s9+$0x0] =	vst.idx.add.s32.msk vm0, v2  }
0x30: {  	s2 =	sadd.s32 $0x1, s2  }
0x31: {  	p0 =	sne.s32 s2, s6  }
.Ltmp3:
0x32: {  	_ = 	snop;
	(pc) =	sbr.rel @p0 .LBB2_1-.Ltmp3, $4  }
0x33: {  	[hbm4b:s5+s10] =	stream.strided.scatter [tilespmem:s9], [sflag:$0x1], $0x1000, s11, s10, $0x38;
	[tilespmem:$0x11080] =	vst v63  }
0x34: {  	_ =	swait.ge [sflag:s8], $0x1000  }
0x35: {  	[sflag:s8] =	ssyncset.done $0x0  }
0x36: {  	[sflag:s8] =	ssyncadd.s32 $0xFFFFF000  }
0x37: {  	_ =	sfence.sel $0x180000  }
0x38: {  	[bflag:$0x0] =	sbarrier.arrive $0xFFFF  }
0x39: {  	p0 =	sne.s32 s1, $0x0;
	_ =	strace $0x90000047  }
0x3a: {  	s0 =	sadd.s32 @!p0 $0x100000, s0;
	[bflag:$0x2] =	sbarrier.arrive $0xFFFF  }
0x3b: {  	[sflag:s0] =	ssyncadd.tile.s32 @!p0 $0x1;
	_ =	shalt  }
.Lfunc_end2:
_tile_overlayer_lowered:
.L_overlay_start_2:
0x3c: {  	(tag) =	ssettag $0x2  }
0x3d: {  	s0 =	rddreg [dreg:$0x0];
	s2 =	stileid.u32  }
0x3e: {  	s1 =	rddreg [dreg:$0x1];
	p0 =	sne.s32 s2, $0x0  }
0x3f: {  	s3 =	rddreg [dreg:$0x2];
	[bflag:$0x3] =	sbarrier.arrive $0xFFFF;
	s2 =	simm.s32 @!p0 $0x1C01  }
0x40: {  	[timem:s3], [sflag:s2] =	dma.local @!p0 [hbm:s0], s1  }
0x41: {  	s0 =	simm.s32 @!p0 $0x1  }
0x42: {  	_ =	swait.ge @!p0 [sflag:s0], s1  }
0x43: {  	s1 =	ssub.s32 @!p0 $0x0, s1;
	[sflag:s0] =	ssyncset.done @!p0 $0x0  }
0x44: {  	[sflag:s0] =	ssyncadd.s32 @!p0 s1  }
0x45: {  	[bflag:$0x3] =	sbarrier.arrive $0xFFFF  }
0x46: {  	_ =	shalt  }

// kernel: branch_0_fun.14.cloned.1.call-start
scs
__scs_entry_jumppad:
0x0: {  	(pc) =	sbr.rel $0x88, $3  }
0x1: {  	(tag) =	ssettag $0x0;
	lr =	simm.s32 $0x1  }
0x2: {  	[smem:$0x3F9F] =	sst lr;
	_ =	strace $0xD0000000  }
0x3: {  	_ = 	snop  }
0x4: {  	_ = 	snop  }
0x5: {  	_ = 	snop  }
0x6: {  	_ = 	snop  }
0x7: {  	_ = 	snop  }
__scs_overlays_trampoline_lowered:
0x8: {  	[smem:$0x3FAE] =	sst s0  }
0x9: {  	[smem:$0x3FAF] =	sst s1  }
0xa: {  	[smem:$0x3FB0] =	sst s2  }
0xb: {  	[smem:$0x3FB1] =	sst s3  }
0xc: {  	[smem:$0x3FB2] =	sst s4  }
0xd: {  	[smem:$0x3FB3] =	sst s5  }
0xe: {  	[smem:$0x3FB4] =	sst s6  }
0xf: {  	[smem:$0x3FB5] =	sst s7  }
0x10: {  	[smem:$0x3FB6] =	sst s8  }
0x11: {  	[smem:$0x3FB7] =	sst s9;
	s0 =	simm.s32 @!p0 $0x0  }
0x12: {  	s1 =	sld [smem:$0x3F9D];
	s0 =	simm.s32 @p0 $0x1  }
0x13: {  	[smem:$0x3FB8] =	sst s0;
	s0 =	simm.s32 @!p1 $0x0  }
0x14: {  	s2 =	sld [smem:$0x3F9C];
	s0 =	simm.s32 @p1 $0x1  }
0x15: {  	[smem:$0x3FB9] =	sst s0;
	s0 =	simm.s32 @!p2 $0x0  }
0x16: {  	s3 =	sld [smem:$0x3FDB];
	s0 =	simm.s32 @p2 $0x1  }
0x17: {  	s4 =	simm.s32 $0x1BF5;
	[smem:$0x3FBB] =	sst s0  }
0x18: {  	s0 =	sld [smem:$0x3F9E];
	_ =	swait.ge [sflag:s4], $0x0  }
0x19: {  	s7 =	sld [smem:$0x3F9F]  }
0x1a: {  	s8 =	sadd.s32 $0xFFFFE003, lr  }
0x1b: {  	s9 =	sadd.s32 $0xFFFFFEF7, lr;
	s5 =	simm.s32 $0xFFFFFFFF;
	p2 =	slt.u32 s8, $0xFFFFF086  }
0x1c: {  	p1 =	slt.u32 s9, $0xF7A;
	s5 =	simm.s32 @!p2 $0x0  }
0x1d: {  	s5 =	simm.s32 @p1 $0x1;
	p0 =	seq.s32 s7, s2  }
0x1e: {  	s7 =	smul.u32 @!p0 $0xF7A, s2;
	p2 =	seq.s32 @!p0 s5, $0x0  }
0x1f: {  	s9 =	smul.u32 $0xF7A, s1;
	s8 =	simm.s32 @!p0 $0x1BF5;
	p2 =	por !p2, p0  }
0x20: {  	[sflag:s8] =	ssyncset.s32 @!p0 $0xFFFFF086;
	s6 =	sadd.s32 @!p0 s3, s7;
	s7 =	simm.s32 @!p0 $0x108  }
0x21: {  	s3 =	sadd.s32 s3, s9;
	s6 =	sadd.s32 @!p0 $0x88, s6;
	s7 =	simm.s32 @p2 $0x1082  }
0x22: {  	[simem:s7], [sflag:s8] =	dma.local @!p0 [hbm:s6], $0xF7A  }
0x23: {  	s9 =	sor.u32 $0xD0000000, s2;
	s6 =	simm.s32 $0x108;
	_ =	swait.ge @!p0 [sflag:s8], $0x0  }
0x24: {  	s3 =	sadd.s32 $0x88, s3;
	s6 =	simm.s32 @!p1 $0x1082;
	[sflag:s4] =	ssyncset.s32 $0xFFFFF086  }
0x25: {  	[simem:s6], [sflag:s4] =	dma.local [hbm:s3], $0xF7A  }
0x26: {  	[smem:$0x3F9F] =	sst s1;
	(tag) =	ssettag s2;
	_ =	strace s9  }
0x27: {  	s1 =	sld [smem:$0x3FAF]  }
0x28: {  	s2 =	sld [smem:$0x3FB0]  }
0x29: {  	s4 =	sld [smem:$0x3FB2]  }
0x2a: {  	p0 =	seq.s32 s5, $0x0;
	s5 =	sld [smem:$0x3FB3]  }
0x2b: {  	s6 =	sld [smem:$0x3FB4]  }
0x2c: {  	s7 =	sld [smem:$0x3FB5]  }
0x2d: {  	s3 =	simm.s32 $0x108;
	s8 =	sld [smem:$0x3FB6]  }
0x2e: {  	s3 =	simm.s32 @!p0 $0x1082;
	s9 =	sld [smem:$0x3FB7]  }
0x2f: {  	lr =	sadd.s32 s0, s3;
	s0 =	sld [smem:$0x3FAE]  }
0x30: {  	s3 =	sld [smem:$0x3FB1]  }
0x31: {  	[smem:$0x3FBA] =	sst s10  }
0x32: {  	s10 =	sld [smem:$0x3FB8];
	_ =	sdelay $0x3  }
0x33: {  	p0 =	seq.s32 s10, $0x1;
	s10 =	sld [smem:$0x3FBA];
	_ =	sdelay $0x3  }
0x34: {  	[smem:$0x3FBA] =	sst s10  }
0x35: {  	s10 =	sld [smem:$0x3FB9];
	_ =	sdelay $0x3  }
0x36: {  	p1 =	seq.s32 s10, $0x1;
	s10 =	sld [smem:$0x3FBA];
	_ =	sdelay $0x3  }
0x37: {  	[smem:$0x3FBA] =	sst s10  }
0x38: {  	s10 =	sld [smem:$0x3FBB]  }
0x39: {  	_ = 	snop;
	(pc) =	sbr.ind lr, $3  }
0x3a: {  	_ = 	snop  }
0x3b: {  	_ = 	snop  }
0x3c: {  	p2 =	seq.s32 s10, $0x1;
	s10 =	sld [smem:$0x3FBA]  }
0x3d: {  	_ =	shalt  }
0x3e: {  	_ =	shalt  }
0x3f: {  	_ =	shalt  }
0x40: {  	_ =	shalt  }
0x41: {  	_ =	shalt  }
0x42: {  	_ =	shalt  }
0x43: {  	_ =	shalt  }
0x44: {  	_ =	shalt  }
0x45: {  	_ =	shalt  }
0x46: {  	_ =	shalt  }
0x47: {  	_ =	shalt  }
0x48: {  	_ =	shalt  }
0x49: {  	_ =	shalt  }
0x4a: {  	_ =	shalt  }
0x4b: {  	_ =	shalt  }
0x4c: {  	_ =	shalt  }
0x4d: {  	_ =	shalt  }
0x4e: {  	_ =	shalt  }
0x4f: {  	_ =	shalt  }
0x50: {  	_ =	shalt  }
0x51: {  	_ =	shalt  }
0x52: {  	_ =	shalt  }
0x53: {  	_ =	shalt  }
0x54: {  	_ =	shalt  }
0x55: {  	_ =	shalt  }
0x56: {  	_ =	shalt  }
0x57: {  	_ =	shalt  }
0x58: {  	_ =	shalt  }
0x59: {  	_ =	shalt  }
0x5a: {  	_ =	shalt  }
0x5b: {  	_ =	shalt  }
0x5c: {  	_ =	shalt  }
0x5d: {  	_ =	shalt  }
0x5e: {  	_ =	shalt  }
0x5f: {  	_ =	shalt  }
0x60: {  	_ =	shalt  }
0x61: {  	_ =	shalt  }
0x62: {  	_ =	shalt  }
0x63: {  	_ =	shalt  }
0x64: {  	_ =	shalt  }
0x65: {  	_ =	shalt  }
0x66: {  	_ =	shalt  }
0x67: {  	_ =	shalt  }
0x68: {  	_ =	shalt  }
0x69: {  	_ =	shalt  }
0x6a: {  	_ =	shalt  }
0x6b: {  	_ =	shalt  }
0x6c: {  	_ =	shalt  }
0x6d: {  	_ =	shalt  }
0x6e: {  	_ =	shalt  }
0x6f: {  	_ =	shalt  }
0x70: {  	_ =	shalt  }
0x71: {  	_ =	shalt  }
0x72: {  	_ =	shalt  }
0x73: {  	_ =	shalt  }
0x74: {  	_ =	shalt  }
0x75: {  	_ =	shalt  }
0x76: {  	_ =	shalt  }
0x77: {  	_ =	shalt  }
0x78: {  	_ =	shalt  }
0x79: {  	_ =	shalt  }
0x7a: {  	_ =	shalt  }
0x7b: {  	_ =	shalt  }
0x7c: {  	_ =	shalt  }
0x7d: {  	_ =	shalt  }
0x7e: {  	_ =	shalt  }
0x7f: {  	_ =	shalt  }
0x80: {  	_ =	shalt  }
0x81: {  	_ =	shalt  }
0x82: {  	_ =	shalt  }
0x83: {  	_ =	shalt  }
0x84: {  	_ =	shalt  }
0x85: {  	_ =	shalt  }
0x86: {  	_ =	shalt  }
0x87: {  	_ =	shalt  }
.Lfunc_end0:
.L_simem_size_0:
called_computation.2_lowered:
.L_overlay_start_0:
0x88: {  	s2 =	sld [smem:$0x3FD9]  }
0x89: {  	s3 =	sld [smem:$0x3FFE];
	_ =	sdelay $0x1  }
0x8a: {  	s1 =	srdreg.scid  }
0x8b: {  	s0 =	sand.u32 $0x1, s1  }
0x8c: {  	s16 =	sshll.u32 s0, $0xA;
	s2 =	sadd.s32 s3, s2  }
0x8d: {  	s2 =	sadd.s32 s2, s16  }
0x8e: {  	[smem:$0x3FC6] =	sst s2  }
0x8f: {  	_ = 	snop  }
0x90: {  	(tm) =	ssettm $0x1  }
0x91: {  	s17 =	sld [smem:$0x3FFB];
	_ =	sdelay $0x3  }
0x92: {  	_ =	strace s17  }
0x93: {  	s2 =	sld [smem:$0x3FFC];
	_ =	sdelay $0x3  }
0x94: {  	_ =	strace s2  }
0x95: {  	s2 =	sld [smem:$0x3FFD];
	_ =	sdelay $0x3  }
0x96: {  	_ =	strace s2  }
0x97: {  	_ =	strace $0x8FFFFFFF  }
0x98: {  	s18 =	sld [smem:$0x3FDB];
	_ =	sdelay $0x1  }
0x99: {  	s19 =	simm.s32 $_scs_section_size  }
0x9a: {  	s4 =	simm.s32 $_size__tile_overlayer_lowered;
	s5 =	simm.s32 $_tile_overlayer_lowered  }
0x9b: {  	s22 =	simm.s32 $0x1BFF;
	s21 =	sshll.u32 s5, $0x1;
	s2 =	sadd.s32 s19, s18  }
0x9c: {  	s6 =	simm.s32 $0x0;
	s20 =	sshll.u32 s4, $0x1;
	s4 =	sadd.s32 s21, s2  }
0x9d: {  	[timem:s6], [sflag:s22] =	dma.local [hbm:s4], s20  }
0x9e: {  	_ =	swait.ge [sflag:s22], s20  }
0x9f: {  	s3 =	ssub.s32 $0x0, s20;
	[sflag:s22] =	ssyncset.done $0x0  }
0xa0: {  	[sflag:s22] =	ssyncadd.s32 s3;
	_ =	sdelay $0x1  }
0xa1: {  	s23 =	simm.s32 $0x1B8B  }
0xa2: {  	_ =	swait.ge [sflag:s23], $0x1  }
0xa3: {  	[sflag:s23] =	ssyncset.done $0x0  }
0xa4: {  	s25 =	simm.s32 $0x1B8E;
	s24 =	sld [smem:$0x3FFE];
	[sflag:s23] =	ssyncadd.s32 $0xFFFFFFFF  }
0xa5: {  	s26 =	simm.s32 $execute0_lowered;
	[smem:$0x3FD2] =	sst s25  }
0xa6: {  	s4 =	sshll.u32 s26, $0x1;
	_ =	strace $0x80000049;
	[dreg:$0x1] =	wrdreg $0xFFFFFFFF  }
0xa7: {  	s28 =	simm.s32 $_size_execute0_lowered;
	s2 =	sadd.s32 s2, s4;
	[dreg:$0x0] =	wrdreg $0x0  }
0xa8: {  	s4 =	sshll.u32 s28, $0x1;
	[dreg:$0x2] =	wrdreg s2  }
0xa9: {  	[dreg:$0x3] =	wrdreg s4  }
0xaa: {  	[dreg:$0x4] =	wrdreg $0xC0  }
0xab: {  	_ =	task [dreg:s6], $0x5FFFF  }
0xac: {  	[dreg:$0x1] =	wrdreg $0xFFFFFFFF  }
0xad: {  	[dreg:$0x0] =	wrdreg $0x60  }
0xae: {  	[dreg:$0x2] =	wrdreg s24  }
0xaf: {  	[dreg:$0x3] =	wrdreg $0x9  }
0xb0: {  	_ =	task.clear_ibuf [dreg:s6], $0x4FFFF;
	_ =	strace $0x90000049  }
0xb1: {  	s29 =	simm.s32 $0x9;
	_ =	strace $0x8000004B  }
0xb2: {  	_ =	swait.ge [sflag:s29], $0x1  }
0xb3: {  	[sflag:s29] =	ssyncadd.s32 $0xFFFFFFFF  }
0xb4: {  	_ =	strace $0x9000004B  }
0xb5: {  	_ =	sfence  }
0xb6: {  	s30 =	sld [smem:$0x0];
	_ =	sdelay $0x2  }
0xb7: {  	s31 =	sshll.u32 s1, $0xD;
	s1 =	sshrl.u32 s1, $0x2  }
0xb8: {  	s3 =	sand.u32 $0x4000, s31;
	s1 =	sadd.s32 s1, s30  }
0xb9: {  	s0 =	sor.u32 s3, s0;
	s1 =	sshll.u32 s1, $0x11  }
0xba: {  	s0 =	sor.u32 s1, s0  }
0xbb: {  	s0 =	sadd.s32 $0x8F2B, s0  }
0xbc: {  	[sflag:s0] =	ssyncadd.remote.s32 $0x1  }
0xbd: {  	_ =	sfence.sel $0xFFFF  }
0xbe: {  	[dreg:$0x0] =	wrdreg $0xFFFFFFFF;
	(pc) =	sbr.abs _section_cstart, $3  }
0xbf: {  	[dreg:$0x1] =	wrdreg $0xFFFFFFFF  }
0xc0: {  	_ =	task.clear_ibuf [dreg:s6], $0x2FFFF;
	_ =	strace $0x9FFFFFFF  }
0xc1: {  	(tm) =	ssettm $0x7FFFFFFF  }
tec
execute0_lowered:
.L_overlay_start_1:
0x0: {  	(tag) =	ssettag $0x1  }
0x1: {  	s4 =	rddreg [dreg:$0x0]  }
0x2: {  	s0 =	rddreg [dreg:$0x1]  }
0x3: {  	s2 =	simm.s32 $0x0;
	s1 =	stileid.u32;
	s3 =	srdreg.scid  }
0x4: {  	s10 =	simm.s32 $0x80;
	s11 =	simm.s32 $0x400;
	[smem:$0x7FF] =	sst s2  }
0x5: {  	s5 =	sand.u32 $0x1, s3;
	s30 =	sshll.u32 s1, $0x1;
	s6 =	sshll.u32 s1, $0xA  }
0x6: {  	s3 =	sadd.s32 $0x200000, s4;
	_ =	strace $0x8000004A;
	s7 =	sor.u32 s5, s30  }
0x7: {  	s6 =	sand.u32 $0x3000, s6;
	s5 =	ssub.s32 $0x2, s5;
	s8 =	sshll.u32 s7, $0x4  }
0x8: {  	s6 =	sadd.s32 s6, s4;
	s9 =	sshrl.u32 s5, $0x1;
	s7 =	sshll.u32 s7, $0x10  }
0x9: {  	s8 =	sand.u32 $0x70, s8;
	s31 =	ssub.s32 s5, s9;
	s4 =	sadd.s32 s4, s7  }
0xa: {  	s7 =	simm.s32 $0x11000;
	s9 =	simm.s32 $0x10000;
	s6 =	sadd.s32 s8, s6  }
0xb: {  	v0 =	vimm.s32 $0x0;
	v1 =	vlaneseq.u32;
	v2 =	vimm.s32 $0x1;
	s8 =	simm.s32 $0x1;
	s5 =	sadd.s32 $0x200400, s6;
	s6 =	smax.u32 s31, $0x1  }
.LBB2_1:
0xc: {  	s12 =	simm.s32 $0x40;
	s13 =	simm.s32 $0x0  }
.LBB2_2:
0xd: {  	p0 =	sne.s32 s12, $0x3FC0;
	[tilespmem:s13+$0x10000] =	vst v0;
	s13 =	smov.u32 s12;
	s12 =	sadd.s32 $0x40, s12  }
.Ltmp0:
0xe: {  	(pc) =	sbr.rel @p0 .LBB2_2-.Ltmp0, $2  }
0xf: {  	_ =	sdelay $0x2  }
0x10: {  	s13 =	sshra.s32 s13, $0x2  }
0x11: {  	[tilespmem:s13+$0x10000] =	vst v0;
	s12 =	simm.s32 $0x0  }
0x12: {  	[tilespmem:s7], [sflag:$0x1] =	stream.linear.gather [hbm4b:s3+s12], $0x80, $0x38;
	[tilespmem:$0x11080] =	vst v63  }
0x13: {  	_ =	swait.ge [sflag:s8], $0x80  }
0x14: {  	[sflag:s8] =	ssyncset.done $0x0  }
0x15: {  	[sflag:s8] =	ssyncadd.s32 $0xFFFFFF80  }
0x16: {  	s13 =	simm.s32 $0x0;
	v3 =	vld [tilespmem:$0x11000]  }
.LBB2_4:
0x17: {  	s14 =	sshll.u32 s13, $0xD  }
0x18: {  	s14 =	sadd.s32 s14, s4  }
0x19: {  	[tilespmem:s12], [sflag:$0x1] =	stream.linear.gather [hbm4b:s14+s12], $0x10000, $0x38;
	[tilespmem:$0x11080] =	vst v63  }
0x1a: {  	_ =	swait.ge [sflag:s8], $0x10000  }
0x1b: {  	[sflag:s8] =	ssyncset.done $0x0  }
0x1c: {  	s15 =	simm.s32 $0x0;
	s14 =	simm.s32 $0x40;
	[sflag:s8] =	ssyncadd.s32 $0xFFFF0000  }
.LBB2_5:
0x1d: {  	p0 =	sne.s32 s14, $0x3FFC0;
	v4 =	vld [tilespmem:s15+$0x0];
	_ =	sdelay $0x4  }
0x1e: {  	v5 =	vshra.s32 v4, $0x1F  }
0x1f: {  	v5 =	vor.u32 $0x80000000, v5  }
0x20: {  	v5 =	vxor.u32 v4, v5  }
0x21: {  	v6 =	vshrl.u32 v5, $0x18  }
0x22: {  	vm0 =	vlt.f32 v4, $9.990000120e-01;
	v4 =	vshrl.u32 v5, $0xC;
	vm1 =	veq.s32 v6, v3  }
0x23: {  	v4 =	vand.u32 $0xFF0, v4;
	vm0 =	vmand vm0, vm1  }
0x24: {  	v4 =	vor.u32 v1, v4  }
.Ltmp1:
0x25: {  	(pc) =	sbr.rel @p0 .LBB2_5-.Ltmp1, $2  }
0x26: {  	_ =	sdelay $0x2  }
0x27: {  	s15 =	sshra.s32 s14, $0x2;
	s14 =	sadd.s32 $0x40, s14;
	[tilespmem:v4+s9+$0x0] =	vst.idx.add.s32.msk vm0, v2  }
0x28: {  	v4 =	vld [tilespmem:s15+$0x0];
	_ =	sdelay $0x4  }
0x29: {  	v5 =	vshra.s32 v4, $0x1F  }
0x2a: {  	v5 =	vor.u32 $0x80000000, v5  }
0x2b: {  	v5 =	vxor.u32 v4, v5  }
0x2c: {  	v6 =	vshrl.u32 v5, $0x18  }
0x2d: {  	vm0 =	vlt.f32 v4, $9.990000120e-01;
	v4 =	vshrl.u32 v5, $0xC;
	vm1 =	veq.s32 v6, v3  }
0x2e: {  	s13 =	sadd.s32 $0x1, s13;
	v4 =	vand.u32 $0xFF0, v4;
	vm0 =	vmand vm0, vm1  }
0x2f: {  	p0 =	sne.s32 s13, $0x8;
	v4 =	vor.u32 v1, v4  }
.Ltmp2:
0x30: {  	_ = 	snop;
	(pc) =	sbr.rel @p0 .LBB2_4-.Ltmp2, $2  }
0x31: {  	_ =	sdelay $0x2  }
0x32: {  	[tilespmem:v4+s9+$0x0] =	vst.idx.add.s32.msk vm0, v2  }
0x33: {  	s2 =	sadd.s32 $0x1, s2  }
0x34: {  	p0 =	sne.s32 s2, s6  }
.Ltmp3:
0x35: {  	_ = 	snop;
	(pc) =	sbr.rel @p0 .LBB2_1-.Ltmp3, $4  }
0x36: {  	[hbm4b:s5+s10] =	stream.strided.scatter [tilespmem:s9], [sflag:$0x1], $0x1000, s11, s10, $0x38;
	[tilespmem:$0x11080] =	vst v63  }
0x37: {  	_ =	swait.ge [sflag:s8], $0x1000  }
0x38: {  	[sflag:s8] =	ssyncset.done $0x0  }
0x39: {  	[sflag:s8] =	ssyncadd.s32 $0xFFFFF000  }
0x3a: {  	_ =	sfence.sel $0x180000  }
0x3b: {  	[bflag:$0x0] =	sbarrier.arrive $0xFFFF  }
0x3c: {  	p0 =	sne.s32 s1, $0x0;
	_ =	strace $0x9000004A  }
0x3d: {  	s0 =	sadd.s32 @!p0 $0x100000, s0;
	[bflag:$0x2] =	sbarrier.arrive $0xFFFF  }
0x3e: {  	[sflag:s0] =	ssyncadd.tile.s32 @!p0 $0x1;
	_ =	shalt  }
.Lfunc_end2:
_tile_overlayer_lowered:
.L_overlay_start_2:
0x3f: {  	(tag) =	ssettag $0x2  }
0x40: {  	s0 =	rddreg [dreg:$0x0];
	s2 =	stileid.u32  }
0x41: {  	s1 =	rddreg [dreg:$0x1];
	p0 =	sne.s32 s2, $0x0  }
0x42: {  	s3 =	rddreg [dreg:$0x2];
	[bflag:$0x3] =	sbarrier.arrive $0xFFFF;
	s2 =	simm.s32 @!p0 $0x1C01  }
0x43: {  	[timem:s3], [sflag:s2] =	dma.local @!p0 [hbm:s0], s1  }
0x44: {  	s0 =	simm.s32 @!p0 $0x1  }
0x45: {  	_ =	swait.ge @!p0 [sflag:s0], s1  }
0x46: {  	s1 =	ssub.s32 @!p0 $0x0, s1;
	[sflag:s0] =	ssyncset.done @!p0 $0x0  }
0x47: {  	[sflag:s0] =	ssyncadd.s32 @!p0 s1  }
0x48: {  	[bflag:$0x3] =	sbarrier.arrive $0xFFFF  }
0x49: {  	_ =	shalt  }

// kernel: branch_0_fun.17.cloned.1.call-start
scs
__scs_entry_jumppad:
0x0: {  	(pc) =	sbr.rel $0x88, $3  }
0x1: {  	(tag) =	ssettag $0x0;
	lr =	simm.s32 $0x1  }
0x2: {  	[smem:$0x3F9F] =	sst lr;
	_ =	strace $0xD0000000  }
0x3: {  	_ = 	snop  }
0x4: {  	_ = 	snop  }
0x5: {  	_ = 	snop  }
0x6: {  	_ = 	snop  }
0x7: {  	_ = 	snop  }
__scs_overlays_trampoline_lowered:
0x8: {  	[smem:$0x3FAE] =	sst s0  }
0x9: {  	[smem:$0x3FAF] =	sst s1  }
0xa: {  	[smem:$0x3FB0] =	sst s2  }
0xb: {  	[smem:$0x3FB1] =	sst s3  }
0xc: {  	[smem:$0x3FB2] =	sst s4  }
0xd: {  	[smem:$0x3FB3] =	sst s5  }
0xe: {  	[smem:$0x3FB4] =	sst s6  }
0xf: {  	[smem:$0x3FB5] =	sst s7  }
0x10: {  	[smem:$0x3FB6] =	sst s8  }
0x11: {  	[smem:$0x3FB7] =	sst s9;
	s0 =	simm.s32 @!p0 $0x0  }
0x12: {  	s1 =	sld [smem:$0x3F9D];
	s0 =	simm.s32 @p0 $0x1  }
0x13: {  	[smem:$0x3FB8] =	sst s0;
	s0 =	simm.s32 @!p1 $0x0  }
0x14: {  	s2 =	sld [smem:$0x3F9C];
	s0 =	simm.s32 @p1 $0x1  }
0x15: {  	[smem:$0x3FB9] =	sst s0;
	s0 =	simm.s32 @!p2 $0x0  }
0x16: {  	s3 =	sld [smem:$0x3FDB];
	s0 =	simm.s32 @p2 $0x1  }
0x17: {  	s4 =	simm.s32 $0x1BF5;
	[smem:$0x3FBB] =	sst s0  }
0x18: {  	s0 =	sld [smem:$0x3F9E];
	_ =	swait.ge [sflag:s4], $0x0  }
0x19: {  	s7 =	sld [smem:$0x3F9F]  }
0x1a: {  	s8 =	sadd.s32 $0xFFFFE003, lr  }
0x1b: {  	s9 =	sadd.s32 $0xFFFFFEF7, lr;
	s5 =	simm.s32 $0xFFFFFFFF;
	p2 =	slt.u32 s8, $0xFFFFF086  }
0x1c: {  	p1 =	slt.u32 s9, $0xF7A;
	s5 =	simm.s32 @!p2 $0x0  }
0x1d: {  	s5 =	simm.s32 @p1 $0x1;
	p0 =	seq.s32 s7, s2  }
0x1e: {  	s7 =	smul.u32 @!p0 $0xF7A, s2;
	p2 =	seq.s32 @!p0 s5, $0x0  }
0x1f: {  	s9 =	smul.u32 $0xF7A, s1;
	s8 =	simm.s32 @!p0 $0x1BF5;
	p2 =	por !p2, p0  }
0x20: {  	[sflag:s8] =	ssyncset.s32 @!p0 $0xFFFFF086;
	s6 =	sadd.s32 @!p0 s3, s7;
	s7 =	simm.s32 @!p0 $0x108  }
0x21: {  	s3 =	sadd.s32 s3, s9;
	s6 =	sadd.s32 @!p0 $0x88, s6;
	s7 =	simm.s32 @p2 $0x1082  }
0x22: {  	[simem:s7], [sflag:s8] =	dma.local @!p0 [hbm:s6], $0xF7A  }
0x23: {  	s9 =	sor.u32 $0xD0000000, s2;
	s6 =	simm.s32 $0x108;
	_ =	swait.ge @!p0 [sflag:s8], $0x0  }
0x24: {  	s3 =	sadd.s32 $0x88, s3;
	s6 =	simm.s32 @!p1 $0x1082;
	[sflag:s4] =	ssyncset.s32 $0xFFFFF086  }
0x25: {  	[simem:s6], [sflag:s4] =	dma.local [hbm:s3], $0xF7A  }
0x26: {  	[smem:$0x3F9F] =	sst s1;
	(tag) =	ssettag s2;
	_ =	strace s9  }
0x27: {  	s1 =	sld [smem:$0x3FAF]  }
0x28: {  	s2 =	sld [smem:$0x3FB0]  }
0x29: {  	s4 =	sld [smem:$0x3FB2]  }
0x2a: {  	p0 =	seq.s32 s5, $0x0;
	s5 =	sld [smem:$0x3FB3]  }
0x2b: {  	s6 =	sld [smem:$0x3FB4]  }
0x2c: {  	s7 =	sld [smem:$0x3FB5]  }
0x2d: {  	s3 =	simm.s32 $0x108;
	s8 =	sld [smem:$0x3FB6]  }
0x2e: {  	s3 =	simm.s32 @!p0 $0x1082;
	s9 =	sld [smem:$0x3FB7]  }
0x2f: {  	lr =	sadd.s32 s0, s3;
	s0 =	sld [smem:$0x3FAE]  }
0x30: {  	s3 =	sld [smem:$0x3FB1]  }
0x31: {  	[smem:$0x3FBA] =	sst s10  }
0x32: {  	s10 =	sld [smem:$0x3FB8];
	_ =	sdelay $0x3  }
0x33: {  	p0 =	seq.s32 s10, $0x1;
	s10 =	sld [smem:$0x3FBA];
	_ =	sdelay $0x3  }
0x34: {  	[smem:$0x3FBA] =	sst s10  }
0x35: {  	s10 =	sld [smem:$0x3FB9];
	_ =	sdelay $0x3  }
0x36: {  	p1 =	seq.s32 s10, $0x1;
	s10 =	sld [smem:$0x3FBA];
	_ =	sdelay $0x3  }
0x37: {  	[smem:$0x3FBA] =	sst s10  }
0x38: {  	s10 =	sld [smem:$0x3FBB]  }
0x39: {  	_ = 	snop;
	(pc) =	sbr.ind lr, $3  }
0x3a: {  	_ = 	snop  }
0x3b: {  	_ = 	snop  }
0x3c: {  	p2 =	seq.s32 s10, $0x1;
	s10 =	sld [smem:$0x3FBA]  }
0x3d: {  	_ =	shalt  }
0x3e: {  	_ =	shalt  }
0x3f: {  	_ =	shalt  }
0x40: {  	_ =	shalt  }
0x41: {  	_ =	shalt  }
0x42: {  	_ =	shalt  }
0x43: {  	_ =	shalt  }
0x44: {  	_ =	shalt  }
0x45: {  	_ =	shalt  }
0x46: {  	_ =	shalt  }
0x47: {  	_ =	shalt  }
0x48: {  	_ =	shalt  }
0x49: {  	_ =	shalt  }
0x4a: {  	_ =	shalt  }
0x4b: {  	_ =	shalt  }
0x4c: {  	_ =	shalt  }
0x4d: {  	_ =	shalt  }
0x4e: {  	_ =	shalt  }
0x4f: {  	_ =	shalt  }
0x50: {  	_ =	shalt  }
0x51: {  	_ =	shalt  }
0x52: {  	_ =	shalt  }
0x53: {  	_ =	shalt  }
0x54: {  	_ =	shalt  }
0x55: {  	_ =	shalt  }
0x56: {  	_ =	shalt  }
0x57: {  	_ =	shalt  }
0x58: {  	_ =	shalt  }
0x59: {  	_ =	shalt  }
0x5a: {  	_ =	shalt  }
0x5b: {  	_ =	shalt  }
0x5c: {  	_ =	shalt  }
0x5d: {  	_ =	shalt  }
0x5e: {  	_ =	shalt  }
0x5f: {  	_ =	shalt  }
0x60: {  	_ =	shalt  }
0x61: {  	_ =	shalt  }
0x62: {  	_ =	shalt  }
0x63: {  	_ =	shalt  }
0x64: {  	_ =	shalt  }
0x65: {  	_ =	shalt  }
0x66: {  	_ =	shalt  }
0x67: {  	_ =	shalt  }
0x68: {  	_ =	shalt  }
0x69: {  	_ =	shalt  }
0x6a: {  	_ =	shalt  }
0x6b: {  	_ =	shalt  }
0x6c: {  	_ =	shalt  }
0x6d: {  	_ =	shalt  }
0x6e: {  	_ =	shalt  }
0x6f: {  	_ =	shalt  }
0x70: {  	_ =	shalt  }
0x71: {  	_ =	shalt  }
0x72: {  	_ =	shalt  }
0x73: {  	_ =	shalt  }
0x74: {  	_ =	shalt  }
0x75: {  	_ =	shalt  }
0x76: {  	_ =	shalt  }
0x77: {  	_ =	shalt  }
0x78: {  	_ =	shalt  }
0x79: {  	_ =	shalt  }
0x7a: {  	_ =	shalt  }
0x7b: {  	_ =	shalt  }
0x7c: {  	_ =	shalt  }
0x7d: {  	_ =	shalt  }
0x7e: {  	_ =	shalt  }
0x7f: {  	_ =	shalt  }
0x80: {  	_ =	shalt  }
0x81: {  	_ =	shalt  }
0x82: {  	_ =	shalt  }
0x83: {  	_ =	shalt  }
0x84: {  	_ =	shalt  }
0x85: {  	_ =	shalt  }
0x86: {  	_ =	shalt  }
0x87: {  	_ =	shalt  }
.Lfunc_end0:
.L_simem_size_0:
called_computation.3_lowered:
.L_overlay_start_0:
0x88: {  	s2 =	sld [smem:$0x3FD9]  }
0x89: {  	s3 =	sld [smem:$0x3FFE];
	_ =	sdelay $0x1  }
0x8a: {  	s1 =	srdreg.scid  }
0x8b: {  	s0 =	sand.u32 $0x1, s1  }
0x8c: {  	s16 =	sshll.u32 s0, $0xA;
	s2 =	sadd.s32 s3, s2  }
0x8d: {  	s2 =	sadd.s32 s2, s16  }
0x8e: {  	[smem:$0x3FC6] =	sst s2  }
0x8f: {  	_ = 	snop  }
0x90: {  	(tm) =	ssettm $0x1  }
0x91: {  	s17 =	sld [smem:$0x3FFB];
	_ =	sdelay $0x3  }
0x92: {  	_ =	strace s17  }
0x93: {  	s2 =	sld [smem:$0x3FFC];
	_ =	sdelay $0x3  }
0x94: {  	_ =	strace s2  }
0x95: {  	s2 =	sld [smem:$0x3FFD];
	_ =	sdelay $0x3  }
0x96: {  	_ =	strace s2  }
0x97: {  	_ =	strace $0x8FFFFFFF  }
0x98: {  	s18 =	sld [smem:$0x3FDB];
	_ =	sdelay $0x1  }
0x99: {  	s19 =	simm.s32 $_scs_section_size  }
0x9a: {  	s4 =	simm.s32 $_size__tile_overlayer_lowered;
	s5 =	simm.s32 $_tile_overlayer_lowered  }
0x9b: {  	s22 =	simm.s32 $0x1BFF;
	s21 =	sshll.u32 s5, $0x1;
	s2 =	sadd.s32 s19, s18  }
0x9c: {  	s6 =	simm.s32 $0x0;
	s20 =	sshll.u32 s4, $0x1;
	s4 =	sadd.s32 s21, s2  }
0x9d: {  	[timem:s6], [sflag:s22] =	dma.local [hbm:s4], s20  }
0x9e: {  	_ =	swait.ge [sflag:s22], s20  }
0x9f: {  	s3 =	ssub.s32 $0x0, s20;
	[sflag:s22] =	ssyncset.done $0x0  }
0xa0: {  	[sflag:s22] =	ssyncadd.s32 s3;
	_ =	sdelay $0x1  }
0xa1: {  	s23 =	simm.s32 $0x1B8B  }
0xa2: {  	_ =	swait.ge [sflag:s23], $0x1  }
0xa3: {  	[sflag:s23] =	ssyncset.done $0x0  }
0xa4: {  	s25 =	simm.s32 $0x1B8E;
	s24 =	sld [smem:$0x3FFE];
	[sflag:s23] =	ssyncadd.s32 $0xFFFFFFFF  }
0xa5: {  	s26 =	simm.s32 $execute0_lowered;
	[smem:$0x3FD2] =	sst s25  }
0xa6: {  	s4 =	sshll.u32 s26, $0x1;
	_ =	strace $0x8000004C;
	[dreg:$0x1] =	wrdreg $0xFFFFFFFF  }
0xa7: {  	s28 =	simm.s32 $_size_execute0_lowered;
	s2 =	sadd.s32 s2, s4;
	[dreg:$0x0] =	wrdreg $0x0  }
0xa8: {  	s4 =	sshll.u32 s28, $0x1;
	[dreg:$0x2] =	wrdreg s2  }
0xa9: {  	[dreg:$0x3] =	wrdreg s4  }
0xaa: {  	[dreg:$0x4] =	wrdreg $0xC0  }
0xab: {  	_ =	task [dreg:s6], $0x5FFFF  }
0xac: {  	[dreg:$0x1] =	wrdreg $0xFFFFFFFF  }
0xad: {  	[dreg:$0x0] =	wrdreg $0x60  }
0xae: {  	[dreg:$0x2] =	wrdreg s24  }
0xaf: {  	[dreg:$0x3] =	wrdreg $0x9  }
0xb0: {  	_ =	task.clear_ibuf [dreg:s6], $0x4FFFF;
	_ =	strace $0x9000004C  }
0xb1: {  	s29 =	simm.s32 $0x9;
	_ =	strace $0x8000004E  }
0xb2: {  	_ =	swait.ge [sflag:s29], $0x1  }
0xb3: {  	[sflag:s29] =	ssyncadd.s32 $0xFFFFFFFF  }
0xb4: {  	_ =	strace $0x9000004E  }
0xb5: {  	_ =	sfence  }
0xb6: {  	s30 =	sld [smem:$0x0];
	_ =	sdelay $0x2  }
0xb7: {  	s31 =	sshll.u32 s1, $0xD;
	s1 =	sshrl.u32 s1, $0x2  }
0xb8: {  	s3 =	sand.u32 $0x4000, s31;
	s1 =	sadd.s32 s1, s30  }
0xb9: {  	s0 =	sor.u32 s3, s0;
	s1 =	sshll.u32 s1, $0x11  }
0xba: {  	s0 =	sor.u32 s1, s0  }
0xbb: {  	s0 =	sadd.s32 $0x8F2B, s0  }
0xbc: {  	[sflag:s0] =	ssyncadd.remote.s32 $0x1  }
0xbd: {  	_ =	sfence.sel $0xFFFF  }
0xbe: {  	[dreg:$0x0] =	wrdreg $0xFFFFFFFF;
	(pc) =	sbr.abs _section_cstart, $3  }
0xbf: {  	[dreg:$0x1] =	wrdreg $0xFFFFFFFF  }
0xc0: {  	_ =	task.clear_ibuf [dreg:s6], $0x2FFFF;
	_ =	strace $0x9FFFFFFF  }
0xc1: {  	(tm) =	ssettm $0x7FFFFFFF  }
tec
execute0_lowered:
.L_overlay_start_1:
0x0: {  	(tag) =	ssettag $0x1  }
0x1: {  	s4 =	rddreg [dreg:$0x0]  }
0x2: {  	s0 =	rddreg [dreg:$0x1]  }
0x3: {  	s2 =	simm.s32 $0x0;
	s1 =	stileid.u32;
	s3 =	srdreg.scid  }
0x4: {  	s10 =	simm.s32 $0x80;
	s11 =	simm.s32 $0x400;
	[smem:$0x7FF] =	sst s2  }
0x5: {  	s5 =	sand.u32 $0x1, s3;
	s30 =	sshll.u32 s1, $0x1;
	s6 =	sshll.u32 s1, $0xA  }
0x6: {  	s3 =	sadd.s32 $0x200000, s4;
	_ =	strace $0x8000004D;
	s7 =	sor.u32 s5, s30  }
0x7: {  	s6 =	sand.u32 $0x3000, s6;
	s5 =	ssub.s32 $0x2, s5;
	s8 =	sshll.u32 s7, $0x4  }
0x8: {  	s6 =	sadd.s32 s6, s4;
	s9 =	sshrl.u32 s5, $0x1;
	s7 =	sshll.u32 s7, $0x10  }
0x9: {  	s8 =	sand.u32 $0x70, s8;
	s31 =	ssub.s32 s5, s9;
	s4 =	sadd.s32 s4, s7  }
0xa: {  	s7 =	simm.s32 $0x11000;
	s9 =	simm.s32 $0x10000;
	s6 =	sadd.s32 s8, s6  }
0xb: {  	v0 =	vimm.s32 $0x0;
	v1 =	vlaneseq.u32;
	v2 =	vimm.s32 $0x1;
	s8 =	simm.s32 $0x1;
	s5 =	sadd.s32 $0x200600, s6;
	s6 =	smax.u32 s31, $0x1  }
.LBB2_1:
0xc: {  	s12 =	simm.s32 $0x40;
	s13 =	simm.s32 $0x0  }
.LBB2_2:
0xd: {  	p0 =	sne.s32 s12, $0x3FC0;
	[tilespmem:s13+$0x10000] =	vst v0;
	s13 =	smov.u32 s12;
	s12 =	sadd.s32 $0x40, s12  }
.Ltmp0:
0xe: {  	(pc) =	sbr.rel @p0 .LBB2_2-.Ltmp0, $2  }
0xf: {  	_ =	sdelay $0x2  }
0x10: {  	s13 =	sshra.s32 s13, $0x2  }
0x11: {  	[tilespmem:s13+$0x10000] =	vst v0;
	s12 =	simm.s32 $0x0  }
0x12: {  	[tilespmem:s7], [sflag:$0x1] =	stream.linear.gather [hbm4b:s3+s12], $0x80, $0x38;
	[tilespmem:$0x11080] =	vst v63  }
0x13: {  	_ =	swait.ge [sflag:s8], $0x80  }
0x14: {  	[sflag:s8] =	ssyncset.done $0x0  }
0x15: {  	[sflag:s8] =	ssyncadd.s32 $0xFFFFFF80  }
0x16: {  	s13 =	simm.s32 $0x0;
	v3 =	vld [tilespmem:$0x11000]  }
.LBB2_4:
0x17: {  	s14 =	sshll.u32 s13, $0xD  }
0x18: {  	s14 =	sadd.s32 s14, s4  }
0x19: {  	[tilespmem:s12], [sflag:$0x1] =	stream.linear.gather [hbm4b:s14+s12], $0x10000, $0x38;
	[tilespmem:$0x11080] =	vst v63  }
0x1a: {  	_ =	swait.ge [sflag:s8], $0x10000  }
0x1b: {  	[sflag:s8] =	ssyncset.done $0x0  }
0x1c: {  	s15 =	simm.s32 $0x0;
	s14 =	simm.s32 $0x40;
	[sflag:s8] =	ssyncadd.s32 $0xFFFF0000  }
.LBB2_5:
0x1d: {  	p0 =	sne.s32 s14, $0x3FFC0;
	v4 =	vld [tilespmem:s15+$0x0];
	_ =	sdelay $0x4  }
0x1e: {  	v5 =	vshra.s32 v4, $0x1F  }
0x1f: {  	v5 =	vor.u32 $0x80000000, v5  }
0x20: {  	v5 =	vxor.u32 v4, v5  }
0x21: {  	v6 =	vshrl.u32 v5, $0x10  }
0x22: {  	vm0 =	vlt.f32 v4, $9.990000120e-01;
	v4 =	vshrl.u32 v5, $0x4;
	vm1 =	veq.s32 v6, v3  }
0x23: {  	v4 =	vand.u32 $0xFF0, v4;
	vm0 =	vmand vm0, vm1  }
0x24: {  	v4 =	vor.u32 v1, v4  }
.Ltmp1:
0x25: {  	(pc) =	sbr.rel @p0 .LBB2_5-.Ltmp1, $2  }
0x26: {  	_ =	sdelay $0x2  }
0x27: {  	s15 =	sshra.s32 s14, $0x2;
	s14 =	sadd.s32 $0x40, s14;
	[tilespmem:v4+s9+$0x0] =	vst.idx.add.s32.msk vm0, v2  }
0x28: {  	v4 =	vld [tilespmem:s15+$0x0];
	_ =	sdelay $0x4  }
0x29: {  	v5 =	vshra.s32 v4, $0x1F  }
0x2a: {  	v5 =	vor.u32 $0x80000000, v5  }
0x2b: {  	v5 =	vxor.u32 v4, v5  }
0x2c: {  	v6 =	vshrl.u32 v5, $0x10  }
0x2d: {  	vm0 =	vlt.f32 v4, $9.990000120e-01;
	v4 =	vshrl.u32 v5, $0x4;
	vm1 =	veq.s32 v6, v3  }
0x2e: {  	s13 =	sadd.s32 $0x1, s13;
	v4 =	vand.u32 $0xFF0, v4;
	vm0 =	vmand vm0, vm1  }
0x2f: {  	p0 =	sne.s32 s13, $0x8;
	v4 =	vor.u32 v1, v4  }
.Ltmp2:
0x30: {  	_ = 	snop;
	(pc) =	sbr.rel @p0 .LBB2_4-.Ltmp2, $2  }
0x31: {  	_ =	sdelay $0x2  }
0x32: {  	[tilespmem:v4+s9+$0x0] =	vst.idx.add.s32.msk vm0, v2  }
0x33: {  	s2 =	sadd.s32 $0x1, s2  }
0x34: {  	p0 =	sne.s32 s2, s6  }
.Ltmp3:
0x35: {  	_ = 	snop;
	(pc) =	sbr.rel @p0 .LBB2_1-.Ltmp3, $4  }
0x36: {  	[hbm4b:s5+s10] =	stream.strided.scatter [tilespmem:s9], [sflag:$0x1], $0x1000, s11, s10, $0x38;
	[tilespmem:$0x11080] =	vst v63  }
0x37: {  	_ =	swait.ge [sflag:s8], $0x1000  }
0x38: {  	[sflag:s8] =	ssyncset.done $0x0  }
0x39: {  	[sflag:s8] =	ssyncadd.s32 $0xFFFFF000  }
0x3a: {  	_ =	sfence.sel $0x180000  }
0x3b: {  	[bflag:$0x0] =	sbarrier.arrive $0xFFFF  }
0x3c: {  	p0 =	sne.s32 s1, $0x0;
	_ =	strace $0x9000004D  }
0x3d: {  	s0 =	sadd.s32 @!p0 $0x100000, s0;
	[bflag:$0x2] =	sbarrier.arrive $0xFFFF  }
0x3e: {  	[sflag:s0] =	ssyncadd.tile.s32 @!p0 $0x1;
	_ =	shalt  }
.Lfunc_end2:
_tile_overlayer_lowered:
.L_overlay_start_2:
0x3f: {  	(tag) =	ssettag $0x2  }
0x40: {  	s0 =	rddreg [dreg:$0x0];
	s2 =	stileid.u32  }
0x41: {  	s1 =	rddreg [dreg:$0x1];
	p0 =	sne.s32 s2, $0x0  }
0x42: {  	s3 =	rddreg [dreg:$0x2];
	[bflag:$0x3] =	sbarrier.arrive $0xFFFF;
	s2 =	simm.s32 @!p0 $0x1C01  }
0x43: {  	[timem:s3], [sflag:s2] =	dma.local @!p0 [hbm:s0], s1  }
0x44: {  	s0 =	simm.s32 @!p0 $0x1  }
0x45: {  	_ =	swait.ge @!p0 [sflag:s0], s1  }
0x46: {  	s1 =	ssub.s32 @!p0 $0x0, s1;
	[sflag:s0] =	ssyncset.done @!p0 $0x0  }
0x47: {  	[sflag:s0] =	ssyncadd.s32 @!p0 s1  }
0x48: {  	[bflag:$0x3] =	sbarrier.arrive $0xFFFF  }
0x49: {  	_ =	shalt  }

// kernel: branch_0_fun.20.cloned.1.call-start
scs
__scs_entry_jumppad:
0x0: {  	(pc) =	sbr.rel $0x88, $3  }
0x1: {  	(tag) =	ssettag $0x0;
	lr =	simm.s32 $0x1  }
0x2: {  	[smem:$0x3F9F] =	sst lr;
	_ =	strace $0xD0000000  }
0x3: {  	_ = 	snop  }
0x4: {  	_ = 	snop  }
0x5: {  	_ = 	snop  }
0x6: {  	_ = 	snop  }
0x7: {  	_ = 	snop  }
__scs_overlays_trampoline_lowered:
0x8: {  	[smem:$0x3FAE] =	sst s0  }
0x9: {  	[smem:$0x3FAF] =	sst s1  }
0xa: {  	[smem:$0x3FB0] =	sst s2  }
0xb: {  	[smem:$0x3FB1] =	sst s3  }
0xc: {  	[smem:$0x3FB2] =	sst s4  }
0xd: {  	[smem:$0x3FB3] =	sst s5  }
0xe: {  	[smem:$0x3FB4] =	sst s6  }
0xf: {  	[smem:$0x3FB5] =	sst s7  }
0x10: {  	[smem:$0x3FB6] =	sst s8  }
0x11: {  	[smem:$0x3FB7] =	sst s9;
	s0 =	simm.s32 @!p0 $0x0  }
0x12: {  	s1 =	sld [smem:$0x3F9D];
	s0 =	simm.s32 @p0 $0x1  }
0x13: {  	[smem:$0x3FB8] =	sst s0;
	s0 =	simm.s32 @!p1 $0x0  }
0x14: {  	s2 =	sld [smem:$0x3F9C];
	s0 =	simm.s32 @p1 $0x1  }
0x15: {  	[smem:$0x3FB9] =	sst s0;
	s0 =	simm.s32 @!p2 $0x0  }
0x16: {  	s3 =	sld [smem:$0x3FDB];
	s0 =	simm.s32 @p2 $0x1  }
0x17: {  	s4 =	simm.s32 $0x1BF5;
	[smem:$0x3FBB] =	sst s0  }
0x18: {  	s0 =	sld [smem:$0x3F9E];
	_ =	swait.ge [sflag:s4], $0x0  }
0x19: {  	s7 =	sld [smem:$0x3F9F]  }
0x1a: {  	s8 =	sadd.s32 $0xFFFFE003, lr  }
0x1b: {  	s9 =	sadd.s32 $0xFFFFFEF7, lr;
	s5 =	simm.s32 $0xFFFFFFFF;
	p2 =	slt.u32 s8, $0xFFFFF086  }
0x1c: {  	p1 =	slt.u32 s9, $0xF7A;
	s5 =	simm.s32 @!p2 $0x0  }
0x1d: {  	s5 =	simm.s32 @p1 $0x1;
	p0 =	seq.s32 s7, s2  }
0x1e: {  	s7 =	smul.u32 @!p0 $0xF7A, s2;
	p2 =	seq.s32 @!p0 s5, $0x0  }
0x1f: {  	s9 =	smul.u32 $0xF7A, s1;
	s8 =	simm.s32 @!p0 $0x1BF5;
	p2 =	por !p2, p0  }
0x20: {  	[sflag:s8] =	ssyncset.s32 @!p0 $0xFFFFF086;
	s6 =	sadd.s32 @!p0 s3, s7;
	s7 =	simm.s32 @!p0 $0x108  }
0x21: {  	s3 =	sadd.s32 s3, s9;
	s6 =	sadd.s32 @!p0 $0x88, s6;
	s7 =	simm.s32 @p2 $0x1082  }
0x22: {  	[simem:s7], [sflag:s8] =	dma.local @!p0 [hbm:s6], $0xF7A  }
0x23: {  	s9 =	sor.u32 $0xD0000000, s2;
	s6 =	simm.s32 $0x108;
	_ =	swait.ge @!p0 [sflag:s8], $0x0  }
0x24: {  	s3 =	sadd.s32 $0x88, s3;
	s6 =	simm.s32 @!p1 $0x1082;
	[sflag:s4] =	ssyncset.s32 $0xFFFFF086  }
0x25: {  	[simem:s6], [sflag:s4] =	dma.local [hbm:s3], $0xF7A  }
0x26: {  	[smem:$0x3F9F] =	sst s1;
	(tag) =	ssettag s2;
	_ =	strace s9  }
0x27: {  	s1 =	sld [smem:$0x3FAF]  }
0x28: {  	s2 =	sld [smem:$0x3FB0]  }
0x29: {  	s4 =	sld [smem:$0x3FB2]  }
0x2a: {  	p0 =	seq.s32 s5, $0x0;
	s5 =	sld [smem:$0x3FB3]  }
0x2b: {  	s6 =	sld [smem:$0x3FB4]  }
0x2c: {  	s7 =	sld [smem:$0x3FB5]  }
0x2d: {  	s3 =	simm.s32 $0x108;
	s8 =	sld [smem:$0x3FB6]  }
0x2e: {  	s3 =	simm.s32 @!p0 $0x1082;
	s9 =	sld [smem:$0x3FB7]  }
0x2f: {  	lr =	sadd.s32 s0, s3;
	s0 =	sld [smem:$0x3FAE]  }
0x30: {  	s3 =	sld [smem:$0x3FB1]  }
0x31: {  	[smem:$0x3FBA] =	sst s10  }
0x32: {  	s10 =	sld [smem:$0x3FB8];
	_ =	sdelay $0x3  }
0x33: {  	p0 =	seq.s32 s10, $0x1;
	s10 =	sld [smem:$0x3FBA];
	_ =	sdelay $0x3  }
0x34: {  	[smem:$0x3FBA] =	sst s10  }
0x35: {  	s10 =	sld [smem:$0x3FB9];
	_ =	sdelay $0x3  }
0x36: {  	p1 =	seq.s32 s10, $0x1;
	s10 =	sld [smem:$0x3FBA];
	_ =	sdelay $0x3  }
0x37: {  	[smem:$0x3FBA] =	sst s10  }
0x38: {  	s10 =	sld [smem:$0x3FBB]  }
0x39: {  	_ = 	snop;
	(pc) =	sbr.ind lr, $3  }
0x3a: {  	_ = 	snop  }
0x3b: {  	_ = 	snop  }
0x3c: {  	p2 =	seq.s32 s10, $0x1;
	s10 =	sld [smem:$0x3FBA]  }
0x3d: {  	_ =	shalt  }
0x3e: {  	_ =	shalt  }
0x3f: {  	_ =	shalt  }
0x40: {  	_ =	shalt  }
0x41: {  	_ =	shalt  }
0x42: {  	_ =	shalt  }
0x43: {  	_ =	shalt  }
0x44: {  	_ =	shalt  }
0x45: {  	_ =	shalt  }
0x46: {  	_ =	shalt  }
0x47: {  	_ =	shalt  }
0x48: {  	_ =	shalt  }
0x49: {  	_ =	shalt  }
0x4a: {  	_ =	shalt  }
0x4b: {  	_ =	shalt  }
0x4c: {  	_ =	shalt  }
0x4d: {  	_ =	shalt  }
0x4e: {  	_ =	shalt  }
0x4f: {  	_ =	shalt  }
0x50: {  	_ =	shalt  }
0x51: {  	_ =	shalt  }
0x52: {  	_ =	shalt  }
0x53: {  	_ =	shalt  }
0x54: {  	_ =	shalt  }
0x55: {  	_ =	shalt  }
0x56: {  	_ =	shalt  }
0x57: {  	_ =	shalt  }
0x58: {  	_ =	shalt  }
0x59: {  	_ =	shalt  }
0x5a: {  	_ =	shalt  }
0x5b: {  	_ =	shalt  }
0x5c: {  	_ =	shalt  }
0x5d: {  	_ =	shalt  }
0x5e: {  	_ =	shalt  }
0x5f: {  	_ =	shalt  }
0x60: {  	_ =	shalt  }
0x61: {  	_ =	shalt  }
0x62: {  	_ =	shalt  }
0x63: {  	_ =	shalt  }
0x64: {  	_ =	shalt  }
0x65: {  	_ =	shalt  }
0x66: {  	_ =	shalt  }
0x67: {  	_ =	shalt  }
0x68: {  	_ =	shalt  }
0x69: {  	_ =	shalt  }
0x6a: {  	_ =	shalt  }
0x6b: {  	_ =	shalt  }
0x6c: {  	_ =	shalt  }
0x6d: {  	_ =	shalt  }
0x6e: {  	_ =	shalt  }
0x6f: {  	_ =	shalt  }
0x70: {  	_ =	shalt  }
0x71: {  	_ =	shalt  }
0x72: {  	_ =	shalt  }
0x73: {  	_ =	shalt  }
0x74: {  	_ =	shalt  }
0x75: {  	_ =	shalt  }
0x76: {  	_ =	shalt  }
0x77: {  	_ =	shalt  }
0x78: {  	_ =	shalt  }
0x79: {  	_ =	shalt  }
0x7a: {  	_ =	shalt  }
0x7b: {  	_ =	shalt  }
0x7c: {  	_ =	shalt  }
0x7d: {  	_ =	shalt  }
0x7e: {  	_ =	shalt  }
0x7f: {  	_ =	shalt  }
0x80: {  	_ =	shalt  }
0x81: {  	_ =	shalt  }
0x82: {  	_ =	shalt  }
0x83: {  	_ =	shalt  }
0x84: {  	_ =	shalt  }
0x85: {  	_ =	shalt  }
0x86: {  	_ =	shalt  }
0x87: {  	_ =	shalt  }
.Lfunc_end0:
.L_simem_size_0:
called_computation.4_lowered:
.L_overlay_start_0:
0x88: {  	s2 =	sld [smem:$0x3FD9]  }
0x89: {  	s3 =	sld [smem:$0x3FFE];
	_ =	sdelay $0x1  }
0x8a: {  	s1 =	srdreg.scid  }
0x8b: {  	s0 =	sand.u32 $0x1, s1  }
0x8c: {  	s16 =	sshll.u32 s0, $0xA;
	s2 =	sadd.s32 s3, s2  }
0x8d: {  	s2 =	sadd.s32 s2, s16  }
0x8e: {  	[smem:$0x3FC6] =	sst s2  }
0x8f: {  	_ = 	snop  }
0x90: {  	(tm) =	ssettm $0x1  }
0x91: {  	s17 =	sld [smem:$0x3FFB];
	_ =	sdelay $0x3  }
0x92: {  	_ =	strace s17  }
0x93: {  	s2 =	sld [smem:$0x3FFC];
	_ =	sdelay $0x3  }
0x94: {  	_ =	strace s2  }
0x95: {  	s2 =	sld [smem:$0x3FFD];
	_ =	sdelay $0x3  }
0x96: {  	_ =	strace s2  }
0x97: {  	_ =	strace $0x8FFFFFFF  }
0x98: {  	s18 =	sld [smem:$0x3FDB];
	_ =	sdelay $0x1  }
0x99: {  	s19 =	simm.s32 $_scs_section_size  }
0x9a: {  	s4 =	simm.s32 $_size__tile_overlayer_lowered;
	s5 =	simm.s32 $_tile_overlayer_lowered  }
0x9b: {  	s22 =	simm.s32 $0x1BFF;
	s21 =	sshll.u32 s5, $0x1;
	s2 =	sadd.s32 s19, s18  }
0x9c: {  	s6 =	simm.s32 $0x0;
	s20 =	sshll.u32 s4, $0x1;
	s4 =	sadd.s32 s21, s2  }
0x9d: {  	[timem:s6], [sflag:s22] =	dma.local [hbm:s4], s20  }
0x9e: {  	_ =	swait.ge [sflag:s22], s20  }
0x9f: {  	s3 =	ssub.s32 $0x0, s20;
	[sflag:s22] =	ssyncset.done $0x0  }
0xa0: {  	[sflag:s22] =	ssyncadd.s32 s3;
	_ =	sdelay $0x1  }
0xa1: {  	s23 =	simm.s32 $0x1B8B  }
0xa2: {  	_ =	swait.ge [sflag:s23], $0x1  }
0xa3: {  	[sflag:s23] =	ssyncset.done $0x0  }
0xa4: {  	s25 =	simm.s32 $0x1B8E;
	s24 =	sld [smem:$0x3FFE];
	[sflag:s23] =	ssyncadd.s32 $0xFFFFFFFF  }
0xa5: {  	s26 =	simm.s32 $execute0_lowered;
	[smem:$0x3FD2] =	sst s25  }
0xa6: {  	s4 =	sshll.u32 s26, $0x1;
	_ =	strace $0x8000004F;
	[dreg:$0x1] =	wrdreg $0xFFFFFFFF  }
0xa7: {  	s28 =	simm.s32 $_size_execute0_lowered;
	s2 =	sadd.s32 s2, s4;
	[dreg:$0x0] =	wrdreg $0x0  }
0xa8: {  	s4 =	sshll.u32 s28, $0x1;
	[dreg:$0x2] =	wrdreg s2  }
0xa9: {  	[dreg:$0x3] =	wrdreg s4  }
0xaa: {  	[dreg:$0x4] =	wrdreg $0xC0  }
0xab: {  	_ =	task [dreg:s6], $0x5FFFF  }
0xac: {  	[dreg:$0x1] =	wrdreg $0xFFFFFFFF  }
0xad: {  	[dreg:$0x0] =	wrdreg $0x60  }
0xae: {  	[dreg:$0x2] =	wrdreg s24  }
0xaf: {  	[dreg:$0x3] =	wrdreg $0x9  }
0xb0: {  	_ =	task.clear_ibuf [dreg:s6], $0x4FFFF;
	_ =	strace $0x9000004F  }
0xb1: {  	s29 =	simm.s32 $0x9;
	_ =	strace $0x80000051  }
0xb2: {  	_ =	swait.ge [sflag:s29], $0x1  }
0xb3: {  	[sflag:s29] =	ssyncadd.s32 $0xFFFFFFFF  }
0xb4: {  	_ =	strace $0x90000051  }
0xb5: {  	_ =	sfence  }
0xb6: {  	s30 =	sld [smem:$0x0];
	_ =	sdelay $0x2  }
0xb7: {  	s31 =	sshll.u32 s1, $0xD;
	s1 =	sshrl.u32 s1, $0x2  }
0xb8: {  	s3 =	sand.u32 $0x4000, s31;
	s1 =	sadd.s32 s1, s30  }
0xb9: {  	s0 =	sor.u32 s3, s0;
	s1 =	sshll.u32 s1, $0x11  }
0xba: {  	s0 =	sor.u32 s1, s0  }
0xbb: {  	s0 =	sadd.s32 $0x8F2B, s0  }
0xbc: {  	[sflag:s0] =	ssyncadd.remote.s32 $0x1  }
0xbd: {  	_ =	sfence.sel $0xFFFF  }
0xbe: {  	[dreg:$0x0] =	wrdreg $0xFFFFFFFF;
	(pc) =	sbr.abs _section_cstart, $3  }
0xbf: {  	[dreg:$0x1] =	wrdreg $0xFFFFFFFF  }
0xc0: {  	_ =	task.clear_ibuf [dreg:s6], $0x2FFFF;
	_ =	strace $0x9FFFFFFF  }
0xc1: {  	(tm) =	ssettm $0x7FFFFFFF  }
tec
execute0_lowered:
.L_overlay_start_1:
0x0: {  	(tag) =	ssettag $0x1  }
0x1: {  	s4 =	rddreg [dreg:$0x0]  }
0x2: {  	s0 =	rddreg [dreg:$0x1]  }
0x3: {  	s2 =	simm.s32 $0x0;
	s1 =	stileid.u32;
	s3 =	srdreg.scid  }
0x4: {  	s10 =	simm.s32 $0x80;
	s11 =	simm.s32 $0x400;
	[smem:$0x7FF] =	sst s2  }
0x5: {  	s5 =	sand.u32 $0x1, s3;
	s30 =	sshll.u32 s1, $0x1;
	s6 =	sshll.u32 s1, $0xA  }
0x6: {  	s3 =	sadd.s32 $0x200000, s4;
	_ =	strace $0x80000050;
	s7 =	sor.u32 s5, s30  }
0x7: {  	s6 =	sand.u32 $0x3000, s6;
	s5 =	ssub.s32 $0x2, s5;
	s8 =	sshll.u32 s7, $0x4  }
0x8: {  	s6 =	sadd.s32 s6, s4;
	s9 =	sshrl.u32 s5, $0x1;
	s7 =	sshll.u32 s7, $0x10  }
0x9: {  	s8 =	sand.u32 $0x70, s8;
	s31 =	ssub.s32 s5, s9;
	s4 =	sadd.s32 s4, s7  }
0xa: {  	s7 =	simm.s32 $0x11000;
	s9 =	simm.s32 $0x10000;
	s6 =	sadd.s32 s8, s6  }
0xb: {  	v0 =	vimm.s32 $0x0;
	v1 =	vlaneseq.u32;
	v2 =	vimm.s32 $0x1;
	s8 =	simm.s32 $0x1;
	s5 =	sadd.s32 $0x200400, s6;
	s6 =	smax.u32 s31, $0x1  }
.LBB2_1:
0xc: {  	s12 =	simm.s32 $0x40;
	s13 =	simm.s32 $0x0  }
.LBB2_2:
0xd: {  	p0 =	sne.s32 s12, $0x3FC0;
	[tilespmem:s13+$0x10000] =	vst v0;
	s13 =	smov.u32 s12;
	s12 =	sadd.s32 $0x40, s12  }
.Ltmp0:
0xe: {  	(pc) =	sbr.rel @p0 .LBB2_2-.Ltmp0, $2  }
0xf: {  	_ =	sdelay $0x2  }
0x10: {  	s13 =	sshra.s32 s13, $0x2  }
0x11: {  	[tilespmem:s13+$0x10000] =	vst v0;
	s12 =	simm.s32 $0x0  }
0x12: {  	[tilespmem:s7], [sflag:$0x1] =	stream.linear.gather [hbm4b:s3+s12], $0x80, $0x38;
	[tilespmem:$0x11080] =	vst v63  }
0x13: {  	_ =	swait.ge [sflag:s8], $0x80  }
0x14: {  	[sflag:s8] =	ssyncset.done $0x0  }
0x15: {  	[sflag:s8] =	ssyncadd.s32 $0xFFFFFF80  }
0x16: {  	s13 =	simm.s32 $0x0;
	v3 =	vld [tilespmem:$0x11000]  }
.LBB2_4:
0x17: {  	s14 =	sshll.u32 s13, $0xD  }
0x18: {  	s14 =	sadd.s32 s14, s4  }
0x19: {  	[tilespmem:s12], [sflag:$0x1] =	stream.linear.gather [hbm4b:s14+s12], $0x10000, $0x38;
	[tilespmem:$0x11080] =	vst v63  }
0x1a: {  	_ =	swait.ge [sflag:s8], $0x10000  }
0x1b: {  	[sflag:s8] =	ssyncset.done $0x0  }
0x1c: {  	s15 =	simm.s32 $0x0;
	s14 =	simm.s32 $0x40;
	[sflag:s8] =	ssyncadd.s32 $0xFFFF0000  }
.LBB2_5:
0x1d: {  	p0 =	sne.s32 s14, $0x3FFC0;
	v4 =	vld [tilespmem:s15+$0x0];
	_ =	sdelay $0x4  }
0x1e: {  	v5 =	vshra.s32 v4, $0x1F  }
0x1f: {  	v5 =	vor.u32 $0x80000000, v5  }
0x20: {  	v5 =	vxor.u32 v4, v5  }
0x21: {  	v6 =	vshrl.u32 v5, $0x8  }
0x22: {  	vm0 =	vlt.f32 v4, $9.990000120e-01;
	v4 =	vshll.u32 v5, $0x4;
	vm1 =	veq.s32 v6, v3  }
0x23: {  	v4 =	vor.u32 v1, v4;
	vm0 =	vmand vm0, vm1  }
0x24: {  	v4 =	vand.u32 $0xFFF, v4  }
.Ltmp1:
0x25: {  	(pc) =	sbr.rel @p0 .LBB2_5-.Ltmp1, $2  }
0x26: {  	_ =	sdelay $0x2  }
0x27: {  	s15 =	sshra.s32 s14, $0x2;
	s14 =	sadd.s32 $0x40, s14;
	[tilespmem:v4+s9+$0x0] =	vst.idx.add.s32.msk vm0, v2  }
0x28: {  	v4 =	vld [tilespmem:s15+$0x0];
	_ =	sdelay $0x4  }
0x29: {  	v5 =	vshra.s32 v4, $0x1F  }
0x2a: {  	v5 =	vor.u32 $0x80000000, v5  }
0x2b: {  	v5 =	vxor.u32 v4, v5  }
0x2c: {  	v6 =	vshrl.u32 v5, $0x8  }
0x2d: {  	vm0 =	vlt.f32 v4, $9.990000120e-01;
	v4 =	vshll.u32 v5, $0x4;
	vm1 =	veq.s32 v6, v3  }
0x2e: {  	s13 =	sadd.s32 $0x1, s13;
	v4 =	vor.u32 v1, v4;
	vm0 =	vmand vm0, vm1  }
0x2f: {  	p0 =	sne.s32 s13, $0x8;
	v4 =	vand.u32 $0xFFF, v4  }
.Ltmp2:
0x30: {  	_ = 	snop;
	(pc) =	sbr.rel @p0 .LBB2_4-.Ltmp2, $2  }
0x31: {  	_ =	sdelay $0x2  }
0x32: {  	[tilespmem:v4+s9+$0x0] =	vst.idx.add.s32.msk vm0, v2  }
0x33: {  	s2 =	sadd.s32 $0x1, s2  }
0x34: {  	p0 =	sne.s32 s2, s6  }
.Ltmp3:
0x35: {  	_ = 	snop;
	(pc) =	sbr.rel @p0 .LBB2_1-.Ltmp3, $4  }
0x36: {  	[hbm4b:s5+s10] =	stream.strided.scatter [tilespmem:s9], [sflag:$0x1], $0x1000, s11, s10, $0x38;
	[tilespmem:$0x11080] =	vst v63  }
0x37: {  	_ =	swait.ge [sflag:s8], $0x1000  }
0x38: {  	[sflag:s8] =	ssyncset.done $0x0  }
0x39: {  	[sflag:s8] =	ssyncadd.s32 $0xFFFFF000  }
0x3a: {  	_ =	sfence.sel $0x180000  }
0x3b: {  	[bflag:$0x0] =	sbarrier.arrive $0xFFFF  }
0x3c: {  	p0 =	sne.s32 s1, $0x0;
	_ =	strace $0x90000050  }
0x3d: {  	s0 =	sadd.s32 @!p0 $0x100000, s0;
	[bflag:$0x2] =	sbarrier.arrive $0xFFFF  }
0x3e: {  	[sflag:s0] =	ssyncadd.tile.s32 @!p0 $0x1;
	_ =	shalt  }
.Lfunc_end2:
_tile_overlayer_lowered:
.L_overlay_start_2:
0x3f: {  	(tag) =	ssettag $0x2  }
0x40: {  	s0 =	rddreg [dreg:$0x0];
	s2 =	stileid.u32  }
0x41: {  	s1 =	rddreg [dreg:$0x1];
	p0 =	sne.s32 s2, $0x0  }
0x42: {  	s3 =	rddreg [dreg:$0x2];
	[bflag:$0x3] =	sbarrier.arrive $0xFFFF;
	s2 =	simm.s32 @!p0 $0x1C01  }
0x43: {  	[timem:s3], [sflag:s2] =	dma.local @!p0 [hbm:s0], s1  }
0x44: {  	s0 =	simm.s32 @!p0 $0x1  }
0x45: {  	_ =	swait.ge @!p0 [sflag:s0], s1  }
0x46: {  	s1 =	ssub.s32 @!p0 $0x0, s1;
	[sflag:s0] =	ssyncset.done @!p0 $0x0  }
0x47: {  	[sflag:s0] =	ssyncadd.s32 @!p0 s1  }
0x48: {  	[bflag:$0x3] =	sbarrier.arrive $0xFFFF  }
0x49: {  	_ =	shalt  }

// kernel: kernel.3.cloned.1.call-start
scs
__scs_entry_jumppad:
0x0: {  	(pc) =	sbr.rel $0x88, $3  }
0x1: {  	(tag) =	ssettag $0x0;
	lr =	simm.s32 $0x1  }
0x2: {  	[smem:$0x3F9F] =	sst lr;
	_ =	strace $0xD0000000  }
0x3: {  	_ = 	snop  }
0x4: {  	_ = 	snop  }
0x5: {  	_ = 	snop  }
0x6: {  	_ = 	snop  }
0x7: {  	_ = 	snop  }
__scs_overlays_trampoline_lowered:
0x8: {  	[smem:$0x3FAE] =	sst s0  }
0x9: {  	[smem:$0x3FAF] =	sst s1  }
0xa: {  	[smem:$0x3FB0] =	sst s2  }
0xb: {  	[smem:$0x3FB1] =	sst s3  }
0xc: {  	[smem:$0x3FB2] =	sst s4  }
0xd: {  	[smem:$0x3FB3] =	sst s5  }
0xe: {  	[smem:$0x3FB4] =	sst s6  }
0xf: {  	[smem:$0x3FB5] =	sst s7  }
0x10: {  	[smem:$0x3FB6] =	sst s8  }
0x11: {  	[smem:$0x3FB7] =	sst s9;
	s0 =	simm.s32 @!p0 $0x0  }
0x12: {  	s1 =	sld [smem:$0x3F9D];
	s0 =	simm.s32 @p0 $0x1  }
0x13: {  	[smem:$0x3FB8] =	sst s0;
	s0 =	simm.s32 @!p1 $0x0  }
0x14: {  	s2 =	sld [smem:$0x3F9C];
	s0 =	simm.s32 @p1 $0x1  }
0x15: {  	[smem:$0x3FB9] =	sst s0;
	s0 =	simm.s32 @!p2 $0x0  }
0x16: {  	s3 =	sld [smem:$0x3FDB];
	s0 =	simm.s32 @p2 $0x1  }
0x17: {  	s4 =	simm.s32 $0x1BF5;
	[smem:$0x3FBB] =	sst s0  }
0x18: {  	s0 =	sld [smem:$0x3F9E];
	_ =	swait.ge [sflag:s4], $0x0  }
0x19: {  	s7 =	sld [smem:$0x3F9F]  }
0x1a: {  	s8 =	sadd.s32 $0xFFFFE003, lr  }
0x1b: {  	s9 =	sadd.s32 $0xFFFFFEF7, lr;
	s5 =	simm.s32 $0xFFFFFFFF;
	p2 =	slt.u32 s8, $0xFFFFF086  }
0x1c: {  	p1 =	slt.u32 s9, $0xF7A;
	s5 =	simm.s32 @!p2 $0x0  }
0x1d: {  	s5 =	simm.s32 @p1 $0x1;
	p0 =	seq.s32 s7, s2  }
0x1e: {  	s7 =	smul.u32 @!p0 $0xF7A, s2;
	p2 =	seq.s32 @!p0 s5, $0x0  }
0x1f: {  	s9 =	smul.u32 $0xF7A, s1;
	s8 =	simm.s32 @!p0 $0x1BF5;
	p2 =	por !p2, p0  }
0x20: {  	[sflag:s8] =	ssyncset.s32 @!p0 $0xFFFFF086;
	s6 =	sadd.s32 @!p0 s3, s7;
	s7 =	simm.s32 @!p0 $0x108  }
0x21: {  	s3 =	sadd.s32 s3, s9;
	s6 =	sadd.s32 @!p0 $0x88, s6;
	s7 =	simm.s32 @p2 $0x1082  }
0x22: {  	[simem:s7], [sflag:s8] =	dma.local @!p0 [hbm:s6], $0xF7A  }
0x23: {  	s9 =	sor.u32 $0xD0000000, s2;
	s6 =	simm.s32 $0x108;
	_ =	swait.ge @!p0 [sflag:s8], $0x0  }
0x24: {  	s3 =	sadd.s32 $0x88, s3;
	s6 =	simm.s32 @!p1 $0x1082;
	[sflag:s4] =	ssyncset.s32 $0xFFFFF086  }
0x25: {  	[simem:s6], [sflag:s4] =	dma.local [hbm:s3], $0xF7A  }
0x26: {  	[smem:$0x3F9F] =	sst s1;
	(tag) =	ssettag s2;
	_ =	strace s9  }
0x27: {  	s1 =	sld [smem:$0x3FAF]  }
0x28: {  	s2 =	sld [smem:$0x3FB0]  }
0x29: {  	s4 =	sld [smem:$0x3FB2]  }
0x2a: {  	p0 =	seq.s32 s5, $0x0;
	s5 =	sld [smem:$0x3FB3]  }
0x2b: {  	s6 =	sld [smem:$0x3FB4]  }
0x2c: {  	s7 =	sld [smem:$0x3FB5]  }
0x2d: {  	s3 =	simm.s32 $0x108;
	s8 =	sld [smem:$0x3FB6]  }
0x2e: {  	s3 =	simm.s32 @!p0 $0x1082;
	s9 =	sld [smem:$0x3FB7]  }
0x2f: {  	lr =	sadd.s32 s0, s3;
	s0 =	sld [smem:$0x3FAE]  }
0x30: {  	s3 =	sld [smem:$0x3FB1]  }
0x31: {  	[smem:$0x3FBA] =	sst s10  }
0x32: {  	s10 =	sld [smem:$0x3FB8];
	_ =	sdelay $0x3  }
0x33: {  	p0 =	seq.s32 s10, $0x1;
	s10 =	sld [smem:$0x3FBA];
	_ =	sdelay $0x3  }
0x34: {  	[smem:$0x3FBA] =	sst s10  }
0x35: {  	s10 =	sld [smem:$0x3FB9];
	_ =	sdelay $0x3  }
0x36: {  	p1 =	seq.s32 s10, $0x1;
	s10 =	sld [smem:$0x3FBA];
	_ =	sdelay $0x3  }
0x37: {  	[smem:$0x3FBA] =	sst s10  }
0x38: {  	s10 =	sld [smem:$0x3FBB]  }
0x39: {  	_ = 	snop;
	(pc) =	sbr.ind lr, $3  }
0x3a: {  	_ = 	snop  }
0x3b: {  	_ = 	snop  }
0x3c: {  	p2 =	seq.s32 s10, $0x1;
	s10 =	sld [smem:$0x3FBA]  }
0x3d: {  	_ =	shalt  }
0x3e: {  	_ =	shalt  }
0x3f: {  	_ =	shalt  }
0x40: {  	_ =	shalt  }
0x41: {  	_ =	shalt  }
0x42: {  	_ =	shalt  }
0x43: {  	_ =	shalt  }
0x44: {  	_ =	shalt  }
0x45: {  	_ =	shalt  }
0x46: {  	_ =	shalt  }
0x47: {  	_ =	shalt  }
0x48: {  	_ =	shalt  }
0x49: {  	_ =	shalt  }
0x4a: {  	_ =	shalt  }
0x4b: {  	_ =	shalt  }
0x4c: {  	_ =	shalt  }
0x4d: {  	_ =	shalt  }
0x4e: {  	_ =	shalt  }
0x4f: {  	_ =	shalt  }
0x50: {  	_ =	shalt  }
0x51: {  	_ =	shalt  }
0x52: {  	_ =	shalt  }
0x53: {  	_ =	shalt  }
0x54: {  	_ =	shalt  }
0x55: {  	_ =	shalt  }
0x56: {  	_ =	shalt  }
0x57: {  	_ =	shalt  }
0x58: {  	_ =	shalt  }
0x59: {  	_ =	shalt  }
0x5a: {  	_ =	shalt  }
0x5b: {  	_ =	shalt  }
0x5c: {  	_ =	shalt  }
0x5d: {  	_ =	shalt  }
0x5e: {  	_ =	shalt  }
0x5f: {  	_ =	shalt  }
0x60: {  	_ =	shalt  }
0x61: {  	_ =	shalt  }
0x62: {  	_ =	shalt  }
0x63: {  	_ =	shalt  }
0x64: {  	_ =	shalt  }
0x65: {  	_ =	shalt  }
0x66: {  	_ =	shalt  }
0x67: {  	_ =	shalt  }
0x68: {  	_ =	shalt  }
0x69: {  	_ =	shalt  }
0x6a: {  	_ =	shalt  }
0x6b: {  	_ =	shalt  }
0x6c: {  	_ =	shalt  }
0x6d: {  	_ =	shalt  }
0x6e: {  	_ =	shalt  }
0x6f: {  	_ =	shalt  }
0x70: {  	_ =	shalt  }
0x71: {  	_ =	shalt  }
0x72: {  	_ =	shalt  }
0x73: {  	_ =	shalt  }
0x74: {  	_ =	shalt  }
0x75: {  	_ =	shalt  }
0x76: {  	_ =	shalt  }
0x77: {  	_ =	shalt  }
0x78: {  	_ =	shalt  }
0x79: {  	_ =	shalt  }
0x7a: {  	_ =	shalt  }
0x7b: {  	_ =	shalt  }
0x7c: {  	_ =	shalt  }
0x7d: {  	_ =	shalt  }
0x7e: {  	_ =	shalt  }
0x7f: {  	_ =	shalt  }
0x80: {  	_ =	shalt  }
0x81: {  	_ =	shalt  }
0x82: {  	_ =	shalt  }
0x83: {  	_ =	shalt  }
0x84: {  	_ =	shalt  }
0x85: {  	_ =	shalt  }
0x86: {  	_ =	shalt  }
0x87: {  	_ =	shalt  }
.Lfunc_end0:
.L_simem_size_0:
called_computation.5_lowered:
.L_overlay_start_0:
0x88: {  	s2 =	sld [smem:$0x3FD9]  }
0x89: {  	s3 =	sld [smem:$0x3FFE];
	_ =	sdelay $0x1  }
0x8a: {  	s1 =	srdreg.scid  }
0x8b: {  	s0 =	sand.u32 $0x1, s1  }
0x8c: {  	s14 =	sshll.u32 s0, $0xA;
	s2 =	sadd.s32 s3, s2  }
0x8d: {  	s2 =	sadd.s32 s2, s14  }
0x8e: {  	[smem:$0x3FC6] =	sst s2  }
0x8f: {  	_ = 	snop  }
0x90: {  	s2 =	sld [smem:$0x3FD0];
	_ =	sdelay $0x2  }
0x91: {  	s15 =	simm.s32 $0xA;
	s4 =	simm.s32 $0x10  }
0x92: {  	[smem:s4], [sflag:s15] =	dma.local [hbm:s2], $0x1  }
0x93: {  	_ =	swait.eq [sflag:s15], $0x1  }
0x94: {  	[sflag:s15] =	ssyncset.done $0x0  }
0x95: {  	[sflag:s15] =	ssyncadd.s32 $0xFFFFFFFF  }
0x96: {  	s16 =	sld [smem:$0x10];
	(tm) =	ssettm $0x1  }
0x97: {  	s17 =	sld [smem:$0x3FFB];
	_ =	sdelay $0x3  }
0x98: {  	_ =	strace s17  }
0x99: {  	s3 =	sld [smem:$0x3FFC];
	_ =	sdelay $0x3  }
0x9a: {  	_ =	strace s3  }
0x9b: {  	s3 =	sld [smem:$0x3FFD];
	_ =	sdelay $0x3  }
0x9c: {  	_ =	strace s3  }
0x9d: {  	_ =	strace $0x8FFFFFFF  }
0x9e: {  	s18 =	sld [smem:$0x3FDB];
	_ =	sdelay $0x1  }
0x9f: {  	s19 =	simm.s32 $_scs_section_size  }
0xa0: {  	s5 =	simm.s32 $_size__tile_overlayer_lowered;
	s6 =	simm.s32 $_tile_overlayer_lowered  }
0xa1: {  	s22 =	simm.s32 $0x1BFF;
	s21 =	sshll.u32 s6, $0x1;
	s3 =	sadd.s32 s19, s18  }
0xa2: {  	s7 =	simm.s32 $0x0;
	s20 =	sshll.u32 s5, $0x1;
	s5 =	sadd.s32 s21, s3  }
0xa3: {  	[timem:s7], [sflag:s22] =	dma.local [hbm:s5], s20  }
0xa4: {  	_ =	swait.ge [sflag:s22], s20  }
0xa5: {  	s4 =	ssub.s32 $0x0, s20;
	[sflag:s22] =	ssyncset.done $0x0  }
0xa6: {  	[sflag:s22] =	ssyncadd.s32 s4;
	_ =	sdelay $0x1  }
0xa7: {  	s23 =	simm.s32 $0x1B8B  }
0xa8: {  	_ =	swait.ge [sflag:s23], $0x1  }
0xa9: {  	[sflag:s23] =	ssyncset.done $0x0  }
0xaa: {  	s25 =	simm.s32 $0x1B8E;
	s24 =	sld [smem:$0x3FFE];
	[sflag:s23] =	ssyncadd.s32 $0xFFFFFFFF  }
0xab: {  	s26 =	simm.s32 $execute0_lowered;
	[smem:$0x3FD2] =	sst s25  }
0xac: {  	s5 =	sshll.u32 s26, $0x1;
	_ =	strace $0x80000055;
	[dreg:$0x1] =	wrdreg $0xFFFFFFFF  }
0xad: {  	s28 =	simm.s32 $_size_execute0_lowered;
	s3 =	sadd.s32 s3, s5;
	[dreg:$0x0] =	wrdreg $0x0  }
0xae: {  	s5 =	sshll.u32 s28, $0x1;
	[dreg:$0x2] =	wrdreg s3  }
0xaf: {  	[dreg:$0x3] =	wrdreg s5  }
0xb0: {  	[dreg:$0x4] =	wrdreg $0xC0  }
0xb1: {  	_ =	task [dreg:s7], $0x5FFFF  }
0xb2: {  	[dreg:$0x1] =	wrdreg $0xFFFFFFFF  }
0xb3: {  	[dreg:$0x0] =	wrdreg $0x60  }
0xb4: {  	[dreg:$0x2] =	wrdreg s24  }
0xb5: {  	[dreg:$0x3] =	wrdreg s16  }
0xb6: {  	[dreg:$0x4] =	wrdreg $0x9  }
0xb7: {  	_ =	task.clear_ibuf [dreg:s7], $0x5FFFF;
	_ =	strace $0x90000055  }
0xb8: {  	s29 =	simm.s32 $0x9;
	_ =	strace $0x80000057  }
0xb9: {  	_ =	swait.ge [sflag:s29], $0x1  }
0xba: {  	[sflag:s29] =	ssyncadd.s32 $0xFFFFFFFF  }
0xbb: {  	_ =	strace $0x90000057  }
0xbc: {  	_ =	sfence  }
0xbd: {  	s30 =	sld [smem:$0x0];
	_ =	sdelay $0x2  }
0xbe: {  	s31 =	sshll.u32 s1, $0xD;
	s1 =	sshrl.u32 s1, $0x2  }
0xbf: {  	s3 =	sand.u32 $0x4000, s31;
	s1 =	sadd.s32 s1, s30  }
0xc0: {  	s0 =	sor.u32 s3, s0;
	s1 =	sshll.u32 s1, $0x11  }
0xc1: {  	s0 =	sor.u32 s1, s0  }
0xc2: {  	s0 =	sadd.s32 $0x8F2B, s0  }
0xc3: {  	[sflag:s0] =	ssyncadd.remote.s32 $0x1  }
0xc4: {  	_ =	sfence.sel $0xFFFF  }
0xc5: {  	[dreg:$0x0] =	wrdreg $0xFFFFFFFF;
	(pc) =	sbr.abs _section_cstart, $3  }
0xc6: {  	[dreg:$0x1] =	wrdreg $0xFFFFFFFF  }
0xc7: {  	_ =	task.clear_ibuf [dreg:s7], $0x2FFFF;
	_ =	strace $0x9FFFFFFF  }
0xc8: {  	(tm) =	ssettm $0x7FFFFFFF  }
0xc9: {  	_ =	shalt  }
tec
execute0_lowered:
.L_overlay_start_1:
0x0: {  	(tag) =	ssettag $0x1  }
0x1: {  	s1 =	rddreg [dreg:$0x0]  }
0x2: {  	s6 =	rddreg [dreg:$0x1]  }
0x3: {  	s0 =	rddreg [dreg:$0x2];
	s4 =	srdreg.scid  }
0x4: {  	s3 =	simm.s32 $0x0;
	s2 =	stileid.u32;
	s10 =	simm.s32 $0x0  }
0x5: {  	s4 =	sand.u32 $0x1, s4;
	[smem:$0x7FF] =	sst s3;
	s7 =	sshll.u32 s2, $0x1  }
0x6: {  	s5 =	ssub.s32 $0x2, s4;
	_ =	strace $0x80000056;
	s7 =	sor.u32 s4, s7  }
0x7: {  	s4 =	sadd.s32 $0x200000, s1;
	s8 =	sshrl.u32 s5, $0x1;
	s9 =	sshll.u32 s7, $0x4  }
0x8: {  	s8 =	ssub.s32 s5, s8;
	s5 =	sshll.u32 s7, $0x10;
	s6 =	sadd.s32 s6, s9  }
0x9: {  	v0 =	vimm.s32 $0x0;
	s9 =	simm.s32 $0x10000;
	s7 =	smax.u32 s8, $0x1;
	s8 =	simm.s32 $0x1  }
.LBB2_1:
0xa: {  	v1 =	vimm.s32 $0x0;
	s11 =	simm.s32 $0x0  }
.LBB2_2:
0xb: {  	s12 =	sshll.u32 s11, $0xD  }
0xc: {  	s12 =	sadd.s32 s5, s12  }
0xd: {  	s14 =	simm.s32 $0x0;
	s13 =	sadd.s32 s1, s12  }
0xe: {  	[tilespmem:s14], [sflag:$0x1] =	stream.linear.gather [hbm4b:s13+s14], $0x10000, $0x38;
	[tilespmem:$0x10080] =	vst v63  }
0xf: {  	_ =	swait.ge [sflag:s8], $0x10000  }
0x10: {  	[sflag:s8] =	ssyncset.done $0x0  }
0x11: {  	s13 =	simm.s32 $0x0;
	s14 =	simm.s32 $0x40;
	[sflag:s8] =	ssyncadd.s32 $0xFFFF0000  }
.LBB2_3:
0x12: {  	p0 =	sne.s32 s14, $0x3FFC0;
	v2 =	vld [tilespmem:s13+$0x0];
	_ =	sdelay $0x3  }
.Ltmp0:
0x13: {  	(pc) =	sbr.rel @p0 .LBB2_3-.Ltmp0, $4  }
0x14: {  	vm0 =	vlt.f32 v2, $9.990000120e-01  }
0x15: {  	vm0 =	vmneg vm0  }
0x16: {  	v2 =	vsel vm0, $0x3F7FBE77, v2;
	v3 =	vsel vm0, $0x1, v0  }
0x17: {  	[tilespmem:s13+$0x0] =	vst v2;
	s13 =	sshra.s32 s14, $0x2;
	s14 =	sadd.s32 $0x40, s14;
	v1 =	vadd.s32 v3, v1  }
0x18: {  	v2 =	vld [tilespmem:s13+$0x0];
	_ =	sdelay $0x4  }
0x19: {  	vm0 =	vlt.f32 v2, $9.990000120e-01  }
0x1a: {  	s11 =	sadd.s32 $0x1, s11;
	vm0 =	vmneg vm0  }
0x1b: {  	p0 =	sne.s32 s11, $0x8;
	v2 =	vsel vm0, $0x3F7FBE77, v2  }
.Ltmp1:
0x1c: {  	s12 =	sadd.s32 s4, s12;
	[tilespmem:s13+$0x0] =	vst v2;
	(pc) =	sbr.rel @p0 .LBB2_2-.Ltmp1, $4  }
0x1d: {  	[hbm4b:s12+s3] =	stream.linear.scatter [tilespmem:s3], [sflag:$0x1], $0x10000, $0x38;
	[tilespmem:$0x10080] =	vst v63  }
0x1e: {  	_ =	swait.ge [sflag:s8], $0x10000  }
0x1f: {  	v2 =	vsel vm0, $0x1, v0;
	[sflag:s8] =	ssyncset.done $0x0  }
0x20: {  	v1 =	vadd.s32 v2, v1;
	[sflag:s8] =	ssyncadd.s32 $0xFFFF0000  }
0x21: {  	s10 =	sadd.s32 $0x1, s10  }
0x22: {  	p0 =	sne.s32 s10, s7  }
.Ltmp2:
0x23: {  	[tilespmem:$0x10000] =	vst v1;
	(pc) =	sbr.rel @p0 .LBB2_1-.Ltmp2, $4  }
0x24: {  	[hbm4b:s6+s3] =	stream.linear.scatter [tilespmem:s9], [sflag:$0x1], $0x80, $0x38;
	[tilespmem:$0x10080] =	vst v63  }
0x25: {  	_ =	swait.ge [sflag:s8], $0x80  }
0x26: {  	[sflag:s8] =	ssyncset.done $0x0  }
0x27: {  	[sflag:s8] =	ssyncadd.s32 $0xFFFFFF80  }
0x28: {  	_ =	sfence.sel $0x180000  }
0x29: {  	[bflag:$0x0] =	sbarrier.arrive $0xFFFF  }
0x2a: {  	p0 =	sne.s32 s2, $0x0;
	_ =	strace $0x90000056  }
0x2b: {  	s0 =	sadd.s32 @!p0 $0x100000, s0;
	[bflag:$0x2] =	sbarrier.arrive $0xFFFF  }
0x2c: {  	[sflag:s0] =	ssyncadd.tile.s32 @!p0 $0x1;
	_ =	shalt  }
.Lfunc_end2:
_tile_overlayer_lowered:
.L_overlay_start_2:
0x2d: {  	(tag) =	ssettag $0x2  }
0x2e: {  	s0 =	rddreg [dreg:$0x0];
	s2 =	stileid.u32  }
0x2f: {  	s1 =	rddreg [dreg:$0x1];
	p0 =	sne.s32 s2, $0x0  }
0x30: {  	s3 =	rddreg [dreg:$0x2];
	[bflag:$0x3] =	sbarrier.arrive $0xFFFF;
	s2 =	simm.s32 @!p0 $0x1C01  }
0x31: {  	[timem:s3], [sflag:s2] =	dma.local @!p0 [hbm:s0], s1  }
0x32: {  	s0 =	simm.s32 @!p0 $0x1  }
0x33: {  	_ =	swait.ge @!p0 [sflag:s0], s1  }
0x34: {  	s1 =	ssub.s32 @!p0 $0x0, s1;
	[sflag:s0] =	ssyncset.done @!p0 $0x0  }
0x35: {  	[sflag:s0] =	ssyncadd.s32 @!p0 s1  }
0x36: {  	[bflag:$0x3] =	sbarrier.arrive $0xFFFF  }
0x37: {  	_ =	shalt  }

// kernel: sparse-core-data-format-call.cloned.1.call-start
scs
called_computation_lowered:
.L_overlay_start_0:
0x0: {  	s2 =	sld [smem:$0x3FD9]  }
0x1: {  	s3 =	sld [smem:$0x3FFE];
	_ =	sdelay $0x1  }
0x2: {  	s1 =	srdreg.scid  }
0x3: {  	s0 =	sand.u32 $0x1, s1  }
0x4: {  	s18 =	sshll.u32 s0, $0xA;
	s2 =	sadd.s32 s3, s2  }
0x5: {  	s2 =	sadd.s32 s2, s18  }
0x6: {  	[smem:$0x3FC6] =	sst s2  }
0x7: {  	_ = 	snop  }
0x8: {  	s2 =	sld [smem:$0x3FC9];
	(tm) =	ssettm $0x1  }
0x9: {  	s19 =	sld [smem:$0x3FFB];
	_ =	sdelay $0x3  }
0xa: {  	_ =	strace s19  }
0xb: {  	s3 =	sld [smem:$0x3FFC];
	_ =	sdelay $0x3  }
0xc: {  	_ =	strace s3  }
0xd: {  	s3 =	sld [smem:$0x3FFD];
	_ =	sdelay $0x3  }
0xe: {  	_ =	strace s3  }
0xf: {  	_ =	strace $0x8FFFFFFF  }
0x10: {  	s20 =	sld [smem:$0x3FDB];
	_ =	sdelay $0x1  }
0x11: {  	s4 =	simm.s32 $_scs_section_size  }
0x12: {  	s5 =	simm.s32 $_size__tile_overlayer_lowered;
	s6 =	simm.s32 $_tile_overlayer_lowered  }
0x13: {  	s23 =	simm.s32 $0x1BFF;
	s22 =	sshll.u32 s6, $0x1;
	s3 =	sadd.s32 s4, s20  }
0x14: {  	s7 =	simm.s32 $0x0;
	s21 =	sshll.u32 s5, $0x1;
	s5 =	sadd.s32 s22, s3  }
0x15: {  	[timem:s7], [sflag:s23] =	dma.local [hbm:s5], s21  }
0x16: {  	_ =	swait.ge [sflag:s23], s21  }
0x17: {  	s4 =	ssub.s32 $0x0, s21;
	[sflag:s23] =	ssyncset.done $0x0  }
0x18: {  	[sflag:s23] =	ssyncadd.s32 s4;
	_ =	sdelay $0x1  }
0x19: {  	s24 =	simm.s32 $0x1B8B  }
0x1a: {  	_ =	swait.ge [sflag:s24], $0x1  }
0x1b: {  	[sflag:s24] =	ssyncset.done $0x0  }
0x1c: {  	s26 =	simm.s32 $0x1B8E;
	s25 =	sld [smem:$0x3FFE];
	[sflag:s24] =	ssyncadd.s32 $0xFFFFFFFF  }
0x1d: {  	s27 =	simm.s32 $execute0_lowered;
	[smem:$0x3FD2] =	sst s26  }
0x1e: {  	s5 =	sshll.u32 s27, $0x1;
	_ =	strace $0x80000052;
	[dreg:$0x1] =	wrdreg $0xFFFFFFFF  }
0x1f: {  	s28 =	simm.s32 $_size_execute0_lowered;
	s3 =	sadd.s32 s3, s5;
	[dreg:$0x0] =	wrdreg $0x0  }
0x20: {  	s5 =	sshll.u32 s28, $0x1;
	[dreg:$0x2] =	wrdreg s3  }
0x21: {  	[dreg:$0x3] =	wrdreg s5  }
0x22: {  	[dreg:$0x4] =	wrdreg $0xC0  }
0x23: {  	_ =	task [dreg:s7], $0x5FFFF  }
0x24: {  	[dreg:$0x1] =	wrdreg $0xFFFFFFFF  }
0x25: {  	[dreg:$0x0] =	wrdreg $0x60  }
0x26: {  	[dreg:$0x2] =	wrdreg s2  }
0x27: {  	[dreg:$0x3] =	wrdreg s25  }
0x28: {  	[dreg:$0x4] =	wrdreg $0x9  }
0x29: {  	_ =	task.clear_ibuf [dreg:s7], $0x5FFFF;
	_ =	strace $0x90000052  }
0x2a: {  	s29 =	simm.s32 $0x9;
	_ =	strace $0x80000054  }
0x2b: {  	_ =	swait.ge [sflag:s29], $0x1  }
0x2c: {  	[sflag:s29] =	ssyncadd.s32 $0xFFFFFFFF  }
0x2d: {  	_ =	strace $0x90000054  }
0x2e: {  	_ =	sfence  }
0x2f: {  	s30 =	sld [smem:$0x0];
	_ =	sdelay $0x2  }
0x30: {  	s31 =	sshll.u32 s1, $0xD;
	s1 =	sshrl.u32 s1, $0x2  }
0x31: {  	s3 =	sand.u32 $0x4000, s31;
	s1 =	sadd.s32 s1, s30  }
0x32: {  	s0 =	sor.u32 s3, s0;
	s1 =	sshll.u32 s1, $0x11  }
0x33: {  	s0 =	sor.u32 s1, s0  }
0x34: {  	s0 =	sadd.s32 $0x8F2B, s0  }
0x35: {  	[sflag:s0] =	ssyncadd.remote.s32 $0x1  }
0x36: {  	_ =	sfence.sel $0xFFFF  }
0x37: {  	[dreg:$0x0] =	wrdreg $0xFFFFFFFF;
	(pc) =	sbr.abs _section_cstart, $3  }
0x38: {  	[dreg:$0x1] =	wrdreg $0xFFFFFFFF  }
0x39: {  	_ =	task.clear_ibuf [dreg:s7], $0x2FFFF;
	_ =	strace $0x9FFFFFFF  }
0x3a: {  	(tm) =	ssettm $0x7FFFFFFF  }
0x3b: {  	_ =	shalt  }
tec
execute0_lowered:
.L_overlay_start_1:
0x0: {  	(tag) =	ssettag $0x1  }
0x1: {  	s2 =	rddreg [dreg:$0x0]  }
0x2: {  	s3 =	rddreg [dreg:$0x1]  }
0x3: {  	s0 =	rddreg [dreg:$0x2];
	s4 =	srdreg.scid  }
.Ltmp0:
0x4: {  	_ =	strace $0x80000053;
	s1 =	stileid.u32;
	(pc) =	sbr.rel .LBB1_1-.Ltmp0, $4  }
0x5: {  	s6 =	simm.s32 $0x2;
	p0 =	por $0x0, $0x0;
	s5 =	sshll.u32 s4, $0x4  }
0x6: {  	s9 =	simm.s32 $0x0;
	s4 =	simm.s32 $0x1;
	s5 =	sand.u32 $0x10, s5  }
0x7: {  	s7 =	simm.s32 $0x0;
	[sflag:s4] =	ssyncpa.u1 $0x0;
	s5 =	sor.u32 s1, s5  }
0x8: {  	[sflag:s6] =	ssyncpa.u1 $0x0;
	s6 =	simm.s32 $0x0;
	s8 =	smov.u32 s5  }
.LBB1_7:
0x9: {  	s11 =	sadd.s32 $0x20, s8  }
0xa: {  	p1 =	slt.u32 s7, $0x2;
	s7 =	sadd.s32 $0x1, s7;
	p2 =	sgt.s32 s11, $0x3FF  }
0xb: {  	s11 =	smov.u32 @p2 s5;
	p2 =	sne.s32 s7, $0x22  }
.Ltmp1:
0xc: {  	_ = 	snop;
	(pc) =	sbr.rel @!p2 .LBB1_8-.Ltmp1, $4  }
0xd: {  	s10 =	simm.s32 @!p1 $0x2  }
0xe: {  	_ =	swait.ge @!p1 [sflag:s10], $0x4000  }
0xf: {  	s9 =	smov.u32 s8;
	[sflag:s10] =	ssyncset.done @!p1 $0x0  }
0x10: {  	p0 =	por !p0, !p0;
	s8 =	smov.u32 s11;
	[sflag:s10] =	ssyncadd.s32 @!p1 $0xFFFFC000  }
.LBB1_1:
0x11: {  	p1 =	sgt.u32 s7, $0x1F  }
0x12: {  	s10 =	sxor.u32 @!p1 $0xFFFFFFFF, s7  }
0x13: {  	s11 =	sshll.u32 @!p1 s8, $0xB;
	s10 =	sshll.u32 @!p1 s10, $0xE  }
0x14: {  	s12 =	simm.s32 @!p1 $0x0;
	s11 =	sadd.s32 @!p1 s2, s11;
	s10 =	sand.u32 @!p1 $0x4000, s10  }
0x15: {  	[tilespmem:s10], [sflag:$0x1] =	stream.linear.gather @!p1 [hbm4b:s11+s12], $0x4000, $0x38;
	[tilespmem:$0x10000] =	vst v63  }
0x16: {  	p1 =	seq.s32 s7, $0x0  }
0x17: {  	p2 =	seq.s32 @!p1 s7, $0x21  }
0x18: {  	p1 =	por p1, p2  }
.Ltmp2:
0x19: {  	_ = 	snop;
	(pc) =	sbr.rel @p1 .LBB1_7-.Ltmp2, $1  }
0x1a: {  	_ =	sdelay $0x3  }
0x1b: {  	s10 =	simm.s32 $0x1;
	_ =	swait.ge [sflag:s4], $0x4000;
	s12 =	sshll.u32 s7, $0xE  }
0x1c: {  	s13 =	simm.s32 $0x0;
	s10 =	simm.s32 @!p0 $0x0;
	[sflag:s4] =	ssyncset.done $0x0  }
0x1d: {  	s12 =	sand.u32 $0x4000, s12;
	s11 =	sshll.u32 s10, $0xE;
	[sflag:s4] =	ssyncadd.s32 $0xFFFFC000  }
0x1e: {  	s12 =	sor.u32 $0x8000, s12;
	s10 =	sor.u32 $0x8040, s11;
	s11 =	sor.u32 $0x40, s11  }
.LBB1_3:
0x1f: {  	v0 =	vmov s11;
	_ =	sdelay $0x3  }
0x20: {  	s15 =	simm.s32 $0x0  }
0x21: {  	v6 =	vld.idx.msk [tilespmem:v0+s15+$0x30 ss:$0x1], $0xffff  }
0x22: {  	v7 =	vld.idx.msk [tilespmem:v0+s15+$0xFFFFFFC0 ss:$0x1], $0xffff  }
0x23: {  	v5 =	vld.idx.msk [tilespmem:v0+s15+$0xFFFFFFD0 ss:$0x1], $0xffff  }
0x24: {  	v4 =	vld.idx.msk [tilespmem:v0+s15+$0xFFFFFFE0 ss:$0x1], $0xffff  }
0x25: {  	v3 =	vld.idx.msk [tilespmem:v0+s15+$0xFFFFFFF0 ss:$0x1], $0xffff  }
0x26: {  	v1 =	vld.idx.msk [tilespmem:v0+s15+$0x0 ss:$0x1], $0xffff  }
0x27: {  	v2 =	vld.idx.msk [tilespmem:v0+s15+$0x10 ss:$0x1], $0xffff;
	[tilespmem:s10+$0x30] =	vst v6  }
0x28: {  	s14 =	simm.s32 $0x80;
	s16 =	simm.s32 $0x400;
	[tilespmem:s10+$0xFFFFFFC0] =	vst v7;
	v6 =	vld.idx.msk [tilespmem:v0+s15+$0x20 ss:$0x1], $0xffff;
	s15 =	smov.u32 s10  }
.LBB1_4:
0x29: {  	p1 =	sne.s32 s16, $0xE00;
	v7 =	vld.idx.msk [tilespmem:v0+s14+$0x30 ss:$0x1], $0xffff;
	[tilespmem:s15+$0xFFFFFFD0] =	vst v5  }
0x2a: {  	v8 =	vld.idx.msk [tilespmem:v0+s14+$0xFFFFFFC0 ss:$0x1], $0xffff;
	[tilespmem:s15+$0xFFFFFFE0] =	vst v4  }
0x2b: {  	v5 =	vld.idx.msk [tilespmem:v0+s14+$0xFFFFFFD0 ss:$0x1], $0xffff;
	[tilespmem:s15+$0xFFFFFFF0] =	vst v3  }
.Ltmp3:
0x2c: {  	v4 =	vld.idx.msk [tilespmem:v0+s14+$0xFFFFFFE0 ss:$0x1], $0xffff;
	[tilespmem:s15+$0x0] =	vst v1;
	(pc) =	sbr.rel @p1 .LBB1_4-.Ltmp3, $4  }
0x2d: {  	v3 =	vld.idx.msk [tilespmem:v0+s14+$0xFFFFFFF0 ss:$0x1], $0xffff;
	[tilespmem:s15+$0x10] =	vst v2  }
0x2e: {  	v1 =	vld.idx.msk [tilespmem:v0+s14+$0x0 ss:$0x1], $0xffff;
	[tilespmem:s15+$0x20] =	vst v6;
	s15 =	sadd.s32 $0x800, s15  }
0x2f: {  	v2 =	vld.idx.msk [tilespmem:v0+s14+$0x10 ss:$0x1], $0xffff;
	[tilespmem:s15+$0x30] =	vst v7  }
0x30: {  	[tilespmem:s15+$0xFFFFFFC0] =	vst v8;
	v6 =	vld.idx.msk [tilespmem:v0+s14+$0x20 ss:$0x1], $0xffff;
	s14 =	sshra.s32 s16, $0x2;
	s16 =	sadd.s32 $0x200, s16  }
0x31: {  	_ =	sdelay $0x2  }
0x32: {  	[tilespmem:s15+$0xFFFFFFD0] =	vst v5  }
0x33: {  	v56 =	vld.idx.msk [tilespmem:v0+s14+$0x30 ss:$0x1], $0xffff;
	[tilespmem:s15+$0xFFFFFFE0] =	vst v4  }
0x34: {  	v57 =	vld.idx.msk [tilespmem:v0+s14+$0xFFFFFFC0 ss:$0x1], $0xffff;
	[tilespmem:s15+$0xFFFFFFF0] =	vst v3  }
0x35: {  	v58 =	vld.idx.msk [tilespmem:v0+s14+$0xFFFFFFD0 ss:$0x1], $0xffff;
	[tilespmem:s15+$0x0] =	vst v1  }
0x36: {  	v59 =	vld.idx.msk [tilespmem:v0+s14+$0xFFFFFFE0 ss:$0x1], $0xffff;
	[tilespmem:s15+$0x10] =	vst v2  }
0x37: {  	v60 =	vld.idx.msk [tilespmem:v0+s14+$0xFFFFFFF0 ss:$0x1], $0xffff;
	s31 =	sadd.s32 $0x800, s15;
	[tilespmem:s15+$0x20] =	vst v6  }
0x38: {  	v61 =	vld.idx.msk [tilespmem:v0+s14+$0x0 ss:$0x1], $0xffff;
	[tilespmem:s31+$0x30] =	vst v56  }
0x39: {  	v62 =	vld.idx.msk [tilespmem:v0+s14+$0x10 ss:$0x1], $0xffff;
	s13 =	sadd.s32 $0x1, s13;
	[tilespmem:s31+$0xFFFFFFC0] =	vst v57  }
0x3a: {  	v63 =	vld.idx.msk [tilespmem:v0+s14+$0x20 ss:$0x1], $0xffff;
	p1 =	sne.s32 s13, $0x10;
	[tilespmem:s31+$0xFFFFFFD0] =	vst v58  }
.Ltmp4:
0x3b: {  	[tilespmem:s31+$0xFFFFFFE0] =	vst v59;
	(pc) =	sbr.rel @p1 .LBB1_3-.Ltmp4, $4  }
0x3c: {  	[tilespmem:s31+$0xFFFFFFF0] =	vst v60  }
0x3d: {  	[tilespmem:s31+$0x0] =	vst v61  }
0x3e: {  	[tilespmem:s31+$0x10] =	vst v62  }
0x3f: {  	s10 =	sadd.s32 $0x80, s10;
	s11 =	sadd.s32 $0x400, s11;
	[tilespmem:s31+$0x20] =	vst v63  }
.Ltmp5:
0x40: {  	(pc) =	sbr.rel .LBB1_7-.Ltmp5, $4  }
0x41: {  	_ = 	snop  }
0x42: {  	s9 =	sshll.u32 s9, $0xB  }
0x43: {  	s9 =	sadd.s32 s3, s9  }
0x44: {  	[hbm4b:s9+s6] =	stream.linear.scatter [tilespmem:s12], [sflag:$0x2], $0x4000, $0x38;
	[tilespmem:$0x10000] =	vst v63  }
.LBB1_8:
0x45: {  	_ =	sfence.sel $0x180000  }
0x46: {  	s2 =	simm.s32 $0x1;
	[bflag:$0x0] =	sbarrier.arrive $0xFFFF  }
0x47: {  	s31 =	simm.s32 $0x2;
	[sflag:s2] =	ssyncpa.u1 $0x1  }
0x48: {  	[sflag:s31] =	ssyncpa.u1 $0x1  }
0x49: {  	p0 =	sne.s32 s1, $0x0;
	_ =	strace $0x90000053  }
0x4a: {  	s0 =	sadd.s32 @!p0 $0x100000, s0;
	[bflag:$0x2] =	sbarrier.arrive $0xFFFF  }
0x4b: {  	[sflag:s0] =	ssyncadd.tile.s32 @!p0 $0x1;
	_ =	shalt  }
.Lfunc_end1:
_tile_overlayer_lowered:
.L_overlay_start_2:
0x4c: {  	(tag) =	ssettag $0x2  }
0x4d: {  	s0 =	rddreg [dreg:$0x0];
	s2 =	stileid.u32  }
0x4e: {  	s1 =	rddreg [dreg:$0x1];
	p0 =	sne.s32 s2, $0x0  }
0x4f: {  	s3 =	rddreg [dreg:$0x2];
	[bflag:$0x3] =	sbarrier.arrive $0xFFFF;
	s2 =	simm.s32 @!p0 $0x1C01  }
0x50: {  	[timem:s3], [sflag:s2] =	dma.local @!p0 [hbm:s0], s1  }
0x51: {  	s0 =	simm.s32 @!p0 $0x1  }
0x52: {  	_ =	swait.ge @!p0 [sflag:s0], s1  }
0x53: {  	s1 =	ssub.s32 @!p0 $0x0, s1;
	[sflag:s0] =	ssyncset.done @!p0 $0x0  }
0x54: {  	[sflag:s0] =	ssyncadd.s32 @!p0 s1  }
0x55: {  	[bflag:$0x3] =	sbarrier.arrive $0xFFFF  }
0x56: {  	_ =	shalt  }

</sc_bundles>
